<compile_context>
chip_gen: v7x
topology: tpu7x:2x2x1
jax: 0.10.2.dev20260603
libtpu: 0.0.44.dev20260713+nightly
codegen_flags: <defaults>
</compile_context>

<pallas_src>
import functools
import math

import jax
import jax.numpy as jnp
from jax import lax
from jax.experimental import pallas as pl
from jax.experimental.pallas import tpu as pltpu
from jax.experimental.pallas import tpu_sc as plsc

NC = 2
NS = 16
NW = NC * NS
D = 128
CHUNK = 128
BR = 1000
EPS = 1e-5
_SQRT2 = math.sqrt(2.0)


@functools.partial(jax.jit, static_argnames=("n_nodes", "n_chunks"))
def _sc_seg_sum(h, src3, dst3, zeros, *, n_nodes, n_chunks):
    rows_per_tile = (-(-n_nodes // NS) + 7) // 8 * 8
    n_pad = NS * rows_per_tile
    mesh = plsc.VectorSubcoreMesh(
        core_axis_name="c", subcore_axis_name="s", num_cores=NC, num_subcores=NS
    )

    @functools.partial(
        pl.kernel,
        out_type=jax.ShapeDtypeStruct((NC, n_pad, D), jnp.float32),
        mesh=mesh,
        scratch_types=[
            pltpu.VMEM((4, CHUNK), jnp.int32),
            pltpu.VMEM((4, CHUNK), jnp.int32),
            pltpu.VMEM((2, CHUNK, D), jnp.float32),
            pltpu.VMEM_SHARED((n_pad + 16, D), jnp.float32),
            pltpu.SemaphoreType.DMA,
            pltpu.SemaphoreType.DMA,
            pltpu.SemaphoreType.DMA,
            pltpu.SemaphoreType.DMA,
            pltpu.SemaphoreType.DMA,
            pltpu.SemaphoreType.DMA,
        ],
    )
    def seg_sum(h_hbm, src_hbm, dst_hbm, zeros_hbm, out_hbm,
                srcv, dstv, rows_v, acc_sh,
                semr0, semr1, semi0, semi1, semi2, semi3):
        c = lax.axis_index("c")
        s = lax.axis_index("s")
        wid = s * NC + c
        row0 = s * rows_per_tile
        semr = (semr0, semr1)
        semi = (semi0, semi1, semi2, semi3)

        def idx_issue(j, sl):
            pltpu.async_copy(src_hbm.at[wid, j], srcv.at[sl], semi[sl])
            pltpu.async_copy(dst_hbm.at[wid, j], dstv.at[sl], semi[sl])

        def idx_wait(sl):
            pltpu.make_async_copy(src_hbm.at[wid, 0], srcv.at[sl],
                                  semi[sl]).wait()
            pltpu.make_async_copy(dst_hbm.at[wid, 0], dstv.at[sl],
                                  semi[sl]).wait()

        def gat_issue(sl, b):
            pltpu.async_copy(h_hbm.at[srcv.at[sl]], rows_v.at[b], semr[b])

        def gat_wait(b):
            pltpu.make_async_copy(h_hbm.at[srcv.at[0]], rows_v.at[b],
                                  semr[b]).wait()

        def scat(sl, b):
            pltpu.sync_copy(rows_v.at[b], acc_sh.at[dstv.at[sl]], add=True)

        pltpu.sync_copy(zeros_hbm.at[pl.ds(row0, rows_per_tile)],
                        acc_sh.at[pl.ds(row0, rows_per_tile)])
        for k in range(4):
            idx_issue(k, k)
        plsc.subcore_barrier()
        for k in range(2):
            idx_wait(k)
            gat_issue(k, k)

        def body(j2, carry):
            for k in range(4):
                j = j2 * 4 + k
                gat_wait(k % 2)
                scat(k, k % 2)

                @pl.when(j + 4 < n_chunks)
                def _():
                    idx_issue(j + 4, k)

                @pl.when(j + 2 < n_chunks)
                def _():
                    idx_wait((k + 2) % 4)
                    gat_issue((k + 2) % 4, k % 2)
            return carry

        lax.fori_loop(0, n_chunks // 4, body, 0)

        plsc.subcore_barrier()
        pltpu.sync_copy(acc_sh.at[pl.ds(row0, rows_per_tile)],
                        out_hbm.at[c, pl.ds(row0, rows_per_tile)])

    return seg_sum(h, src3, dst3, zeros)


_PREC = lax.Precision.HIGHEST


def _mlp_a(h, partials, w1, b1):
    n = h.shape[0]
    nb = n // BR

    def body(h_ref, pp_ref, w_ref, b_ref, u_ref):
        t = h_ref[...] + (pp_ref[0] + pp_ref[1])
        u_ref[...] = (
            jnp.dot(t, w_ref[...], preferred_element_type=jnp.float32) + b_ref[...]
        )

    return pl.pallas_call(
        body,
        grid=(nb,),
        in_specs=[
            pl.BlockSpec((BR, D), lambda i: (i, 0)),
            pl.BlockSpec((NC, BR, D), lambda i: (0, i, 0)),
            pl.BlockSpec((D, D), lambda i: (0, 0)),
            pl.BlockSpec((1, D), lambda i: (0, 0)),
        ],
        out_specs=pl.BlockSpec((BR, D), lambda i: (i, 0)),
        out_shape=jax.ShapeDtypeStruct((n, D), jnp.float32),
    )(h, partials, w1, b1.reshape(1, D))


def _mlp_stats(u):
    n = u.shape[0]

    def body(u_ref, m_ref, v_ref):
        uu = u_ref[...]
        m = jnp.sum(uu, axis=0, keepdims=True) / n
        m_ref[...] = m
        du = uu - m
        v_ref[...] = jnp.sum(du * du, axis=0, keepdims=True) / n

    return pl.pallas_call(
        body,
        out_shape=[
            jax.ShapeDtypeStruct((1, D), jnp.float32),
            jax.ShapeDtypeStruct((1, D), jnp.float32),
        ],
    )(u)


def _mlp_b(u, m_, v_, g, be, w2, b2):
    n = u.shape[0]
    nb = n // BR

    def body(u_ref, m_ref, v_ref, g_ref, be_ref, w_ref, b_ref, o_ref):
        r = jnp.maximum(
            (u_ref[...] - m_ref[...]) * lax.rsqrt(v_ref[...] + EPS) * g_ref[...]
            + be_ref[...], 0.0)
        z = jnp.dot(r, w_ref[...], preferred_element_type=jnp.float32) + b_ref[...]
        o_ref[...] = z * 0.5 * (1.0 + lax.erf(z / _SQRT2))

    return pl.pallas_call(
        body,
        grid=(nb,),
        in_specs=[
            pl.BlockSpec((BR, D), lambda i: (i, 0)),
            pl.BlockSpec((1, D), lambda i: (0, 0)),
            pl.BlockSpec((1, D), lambda i: (0, 0)),
            pl.BlockSpec((1, D), lambda i: (0, 0)),
            pl.BlockSpec((1, D), lambda i: (0, 0)),
            pl.BlockSpec((D, D), lambda i: (0, 0)),
            pl.BlockSpec((1, D), lambda i: (0, 0)),
        ],
        out_specs=pl.BlockSpec((BR, D), lambda i: (i, 0)),
        out_shape=jax.ShapeDtypeStruct((n, D), jnp.float32),
    )(u, m_, v_, g.reshape(1, D), be.reshape(1, D), w2, b2.reshape(1, D))


def _pool(h, batch3, n_graphs):
    n = h.shape[0]
    nb = n // BR

    def body(h_ref, b_ref, o_ref):
        bi = b_ref[0, 0, :]
        onehot_t = (
            lax.broadcasted_iota(jnp.int32, (n_graphs, BR), 0) == bi[None, :]
        ).astype(jnp.float32)
        acc = jnp.dot(onehot_t, h_ref[...], preferred_element_type=jnp.float32,
                      precision=_PREC)

        @pl.when(pl.program_id(0) == 0)
        def _():
            o_ref[...] = jnp.zeros_like(o_ref)

        o_ref[...] += acc

    return pl.pallas_call(
        body,
        grid=(nb,),
        in_specs=[
            pl.BlockSpec((BR, D), lambda i: (i, 0)),
            pl.BlockSpec((1, 1, BR), lambda i: (i, 0, 0)),
        ],
        out_specs=pl.BlockSpec((n_graphs, D), lambda i: (0, 0)),
        out_shape=jax.ShapeDtypeStruct((n_graphs, D), jnp.float32),
    )(h, batch3)


def _final_mlp(pooled, f):
    g_rows = pooled.shape[0]

    def body(p_ref, w1_ref, b1_ref, g_ref, be_ref, w2_ref, b2_ref, o_ref):
        u = jnp.dot(p_ref[...], w1_ref[...], preferred_element_type=jnp.float32)
        u = u + b1_ref[...]
        m = jnp.sum(u, axis=0, keepdims=True) / g_rows
        du = u - m
        v = jnp.sum(du * du, axis=0, keepdims=True) / g_rows
        r = jnp.maximum(du * lax.rsqrt(v + EPS) * g_ref[...] + be_ref[...], 0.0)
        o_ref[...] = (
            jnp.dot(r, w2_ref[...], preferred_element_type=jnp.float32)
            + b2_ref[...]
        )

    return pl.pallas_call(
        body,
        out_shape=jax.ShapeDtypeStruct((g_rows, D), jnp.float32),
    )(
        pooled,
        f["W1"],
        f["b1"].reshape(1, D),
        f["g1"].reshape(1, D),
        f["be1"].reshape(1, D),
        f["W2"],
        f["b2"].reshape(1, D),
    )


def kernel(x, edge_index, batch, batch_size, params):
    n = x.shape[0]
    e = edge_index.shape[1]
    n_graphs = 128

    n_pad = NS * ((-(-n // NS) + 7) // 8 * 8)
    need = int(e / NW + 12.0 * math.sqrt(e / NW + 1.0)) + 1
    n_chunks = max(4, -(-(-(-need // CHUNK)) // 4) * 4)
    cap = n_chunks * CHUNK
    src = edge_index[0]
    dst = edge_index[1]
    slices = 64
    rows_per_bucket = -(-n_pad // NW)
    slice_len = -(-e // slices)
    pos = jnp.arange(e, dtype=jnp.int32)
    key = (dst // rows_per_bucket) * slices + pos // slice_len
    val = src * 16384 + dst
    skey, sval = lax.sort((key, val), num_keys=1, is_stable=True)
    sb = sval // 16384
    db = sval % 16384
    bb = skey // slices
    bounds = jnp.searchsorted(bb, jnp.arange(NW + 1, dtype=bb.dtype))
    idx2 = bounds[:NW, None] + jnp.arange(cap, dtype=jnp.int32)[None, :]
    valid = idx2 < bounds[1:, None]
    idx2c = jnp.minimum(idx2, e - 1)
    n_fill = max(1, n_pad - n)
    filler = n + (jnp.arange(cap, dtype=jnp.int32) % n_fill)
    src3 = jnp.where(valid, sb[idx2c], filler - n).reshape(NW, n_chunks, CHUNK)
    dst3 = jnp.where(valid, db[idx2c], filler[None, :]).reshape(
        NW, n_chunks, CHUNK)
    zeros = jnp.zeros((n_pad, D), jnp.float32)
    batch3 = batch.reshape(n // BR, 1, BR)

    h = x
    for p in params["convs"]:
        partials = _sc_seg_sum(h, src3, dst3, zeros,
                               n_nodes=n, n_chunks=n_chunks)
        u = _mlp_a(h, partials, p["W1"], p["b1"])
        m_, v_ = _mlp_stats(u)
        h = _mlp_b(u, m_, v_, p["g1"], p["be1"], p["W2"], p["b2"])

    pooled = _pool(h, batch3, n_graphs)
    return _final_mlp(pooled, params["final"])

# --- scband reference (transcript-rebuilt; emitter-appended) ---
"""Pipeline reference for scband-gin-74268574482528 (READ-ONLY COPY).

The authoritative reference and input builder live on the scoring server;
editing this copy changes nothing except your own understanding.
"""

import jax, jax.numpy as jnp
import numpy as np

N = 10000
E = 320000
DIN = 128
H = 128
DOUT = 128
G = 128
NUM_LAYERS = 3


def _init_mlp(key, din, dh, dout):
    k1, k2 = jax.random.split(key)
    return {
        "W1": jax.random.normal(k1, (din, dh), dtype=jnp.float32) * (1.0 / np.sqrt(din)),
        "b1": jnp.zeros((dh,), dtype=jnp.float32),
        "g1": jnp.ones((dh,), dtype=jnp.float32),
        "be1": jnp.zeros((dh,), dtype=jnp.float32),
        "W2": jax.random.normal(k2, (dh, dout), dtype=jnp.float32) * (1.0 / np.sqrt(dh)),
        "b2": jnp.zeros((dout,), dtype=jnp.float32),
    }


def setup_inputs(seed: int = 0) -> dict:
    key = jax.random.key(seed)
    ks = jax.random.split(key, 8)
    x = jax.random.normal(ks[0], (N, DIN), dtype=jnp.float32)
    edge_index = jax.random.randint(ks[1], (2, E), 0, N, dtype=jnp.int32)
    batch = jnp.sort(jax.random.randint(ks[2], (N,), 0, G, dtype=jnp.int32))
    convs = []
    din = DIN
    for i in range(NUM_LAYERS):
        convs.append(_init_mlp(jax.random.fold_in(ks[3], i), din, H, H))
        din = H
    final = _init_mlp(ks[4], H, H, DOUT)
    params = {"convs": convs, "final": final}
    return {"x": x, "edge_index": edge_index, "batch": batch, "batch_size": G, "params": params}


def _bn(h, g, b):
    # training-mode batch norm (biased batch statistics), matching nn.BatchNorm1d forward
    m = jnp.mean(h, axis=0)
    v = jnp.var(h, axis=0)
    return (h - m) * jax.lax.rsqrt(v + 1e-5) * g + b


def reference(x, edge_index, batch, batch_size, params):
    src = edge_index[0]
    dst = edge_index[1]
    h = x
    for p in params["convs"]:
        # GINConv, eps=0: mlp((1+eps)*x + sum_{j->i} x_j)
        agg = jax.ops.segment_sum(h[src], dst, num_segments=h.shape[0])
        t = h + agg
        t = t @ p["W1"] + p["b1"]
        t = _bn(t, p["g1"], p["be1"])
        t = jax.nn.relu(t)
        t = t @ p["W2"] + p["b2"]
        h = jax.nn.gelu(t, approximate=False)
    pooled = jax.ops.segment_sum(h, batch, num_segments=G)
    pooled = pooled + jnp.zeros((), pooled.dtype) * batch_size
    f = params["final"]
    o = pooled @ f["W1"] + f["b1"]
    o = _bn(o, f["g1"], f["be1"])
    o = jax.nn.relu(o)
    # dropout(0.5) treated as identity (inference/deterministic)
    o = o @ f["W2"] + f["b2"]
    return o

if __name__ == "__main__":
    import jax
    _d = setup_inputs()
    print(jax.jit(kernel)(*tuple(_d.values())))

</pallas_src>

<mosaic_0001>
#map = affine_map<(d0, d1) -> (0, 0)>
#map1 = affine_map<(d0, d1) -> (0, 0, 0)>
module attributes {stable_mosaic.version = 14 : i64} {
  func.func @seg_sum(%arg0: i32, %arg1: i32, %arg2: memref<10000x128xf32, #tpu.memory_space<hbm>>, %arg3: memref<32x88x128xi32, #tpu.memory_space<hbm>>, %arg4: memref<32x88x128xi32, #tpu.memory_space<hbm>>, %arg5: memref<10112x128xf32, #tpu.memory_space<hbm>>, %arg6: memref<2x10112x128xf32, #tpu.memory_space<hbm>>, %arg7: memref<4x128xi32, #tpu.memory_space<vmem>>, %arg8: memref<4x128xi32, #tpu.memory_space<vmem>>, %arg9: memref<2x128x128xf32, #tpu.memory_space<vmem>>, %arg10: memref<10128x128xf32, #tpu.memory_space<vmem_shared>>, %arg11: memref<!tpu.dma_semaphore, #tpu.memory_space<semaphore_mem>>, %arg12: memref<!tpu.dma_semaphore, #tpu.memory_space<semaphore_mem>>, %arg13: memref<!tpu.dma_semaphore, #tpu.memory_space<semaphore_mem>>, %arg14: memref<!tpu.dma_semaphore, #tpu.memory_space<semaphore_mem>>, %arg15: memref<!tpu.dma_semaphore, #tpu.memory_space<semaphore_mem>>, %arg16: memref<!tpu.dma_semaphore, #tpu.memory_space<semaphore_mem>>) attributes {dimension_semantics = [#tpu.dimension_semantics<core_parallel>, #tpu.dimension_semantics<subcore_parallel>], iteration_bounds = array<i64: 2, 16>, scalar_prefetch = 0 : i64, scratch_operands = 10 : i64, tpu.core_type = #tpu.core_type<sc_vector_subcore>, window_params = [{transform_indices = #map}, {transform_indices = #map1}, {transform_indices = #map1}, {transform_indices = #map}, {transform_indices = #map1}]} {
    %mul3A = arith.constant 2 : i32
    %mul3A_0 = arith.muli %arg1, %mul3A : i32
    %add3A = arith.addi %mul3A_0, %arg0 : i32
    %mul3A_1 = arith.constant 632 : i32
    %mul3A_2 = arith.muli %arg1, %mul3A_1 : i32
    "tpu.region"() ({
      %run_scoped3A = tpu.sem_alloc : memref<!tpu.dma_semaphore, #tpu.memory_space<semaphore_mem>>
      %dma_start3A_199 = arith.constant 0 : i32
      %dma_start3A_200 = tpu.memref_slice %arg10[%mul3A_2, %dma_start3A_199] : memref<10128x128xf32, #tpu.memory_space<vmem_shared>> -> memref<632x128xf32, #tpu.memory_space<vmem_shared>>
      %dma_start3A_201 = arith.constant 0 : i32
      %dma_start3A_202 = tpu.memref_slice %arg5[%mul3A_2, %dma_start3A_201] : memref<10112x128xf32, #tpu.memory_space<hbm>> -> memref<632x128xf32, #tpu.memory_space<hbm>>
      tpu.enqueue_dma source(%dma_start3A_202 : memref<632x128xf32, #tpu.memory_space<hbm>>) target(%dma_start3A_200 : memref<632x128xf32, #tpu.memory_space<vmem_shared>>) target_semaphore(%run_scoped3A : memref<!tpu.dma_semaphore, #tpu.memory_space<semaphore_mem>>)
      %dma_wait3A_203 = arith.constant 0 : i32
      %dma_wait3A_204 = tpu.memref_slice %arg10[%mul3A_2, %dma_wait3A_203] : memref<10128x128xf32, #tpu.memory_space<vmem_shared>> -> memref<632x128xf32, #tpu.memory_space<vmem_shared>>
      %dma_wait3A_205 = arith.constant 0 : i32
      %dma_wait3A_206 = tpu.memref_slice %arg5[%mul3A_2, %dma_wait3A_205] : memref<10112x128xf32, #tpu.memory_space<hbm>> -> memref<632x128xf32, #tpu.memory_space<hbm>>
      tpu.wait_dma2 semaphore(%run_scoped3A : memref<!tpu.dma_semaphore, #tpu.memory_space<semaphore_mem>>) src(%dma_wait3A_206 : memref<632x128xf32, #tpu.memory_space<hbm>>) dst(%dma_wait3A_204 : memref<632x128xf32, #tpu.memory_space<vmem_shared>>)
      tpu.yield
    }) : () -> ()
    %dma_start3A = arith.constant 0 : i32
    %dma_start3A_3 = arith.constant 0 : i32
    %dma_start3A_4 = arith.constant 0 : i32
    %dma_start3A_5 = tpu.memref_slice %arg7[%dma_start3A_3, %dma_start3A_4] : memref<4x128xi32, #tpu.memory_space<vmem>> -> memref<1x128xi32, #tpu.memory_space<vmem>>
    %dma_start3A_6 = tpu.memref_squeeze %dma_start3A_5 : memref<1x128xi32, #tpu.memory_space<vmem>> -> memref<128xi32, #tpu.memory_space<vmem>>
    %dma_start3A_7 = arith.constant 0 : i32
    %dma_start3A_8 = tpu.memref_slice %arg3[%add3A, %dma_start3A, %dma_start3A_7] : memref<32x88x128xi32, #tpu.memory_space<hbm>> -> memref<1x1x128xi32, #tpu.memory_space<hbm>>
    %dma_start3A_9 = tpu.memref_squeeze %dma_start3A_8 : memref<1x1x128xi32, #tpu.memory_space<hbm>> -> memref<128xi32, #tpu.memory_space<hbm>>
    %dma_start3A_10 = arith.constant 0 : i32
    %dma_start3A_11 = tpu.memref_slice %arg7[%dma_start3A_3, %dma_start3A_10] : memref<4x128xi32, #tpu.memory_space<vmem>> -> memref<1x128xi32, #tpu.memory_space<vmem>>
    %dma_start3A_12 = tpu.memref_squeeze %dma_start3A_11 : memref<1x128xi32, #tpu.memory_space<vmem>> -> memref<128xi32, #tpu.memory_space<vmem>>
    %dma_start3A_13 = arith.constant 0 : i32
    %dma_start3A_14 = tpu.memref_slice %arg3[%add3A, %dma_start3A, %dma_start3A_13] : memref<32x88x128xi32, #tpu.memory_space<hbm>> -> memref<1x1x128xi32, #tpu.memory_space<hbm>>
    %dma_start3A_15 = tpu.memref_squeeze %dma_start3A_14 : memref<1x1x128xi32, #tpu.memory_space<hbm>> -> memref<128xi32, #tpu.memory_space<hbm>>
    tpu.enqueue_dma source(%dma_start3A_15 : memref<128xi32, #tpu.memory_space<hbm>>) target(%dma_start3A_12 : memref<128xi32, #tpu.memory_space<vmem>>) target_semaphore(%arg13 : memref<!tpu.dma_semaphore, #tpu.memory_space<semaphore_mem>>)
    %dma_start3A_16 = arith.constant 0 : i32
    %dma_start3A_17 = arith.constant 0 : i32
    %dma_start3A_18 = arith.constant 0 : i32
    %dma_start3A_19 = tpu.memref_slice %arg8[%dma_start3A_17, %dma_start3A_18] : memref<4x128xi32, #tpu.memory_space<vmem>> -> memref<1x128xi32, #tpu.memory_space<vmem>>
    %dma_start3A_20 = tpu.memref_squeeze %dma_start3A_19 : memref<1x128xi32, #tpu.memory_space<vmem>> -> memref<128xi32, #tpu.memory_space<vmem>>
    %dma_start3A_21 = arith.constant 0 : i32
    %dma_start3A_22 = tpu.memref_slice %arg4[%add3A, %dma_start3A_16, %dma_start3A_21] : memref<32x88x128xi32, #tpu.memory_space<hbm>> -> memref<1x1x128xi32, #tpu.memory_space<hbm>>
    %dma_start3A_23 = tpu.memref_squeeze %dma_start3A_22 : memref<1x1x128xi32, #tpu.memory_space<hbm>> -> memref<128xi32, #tpu.memory_space<hbm>>
    %dma_start3A_24 = arith.constant 0 : i32
    %dma_start3A_25 = tpu.memref_slice %arg8[%dma_start3A_17, %dma_start3A_24] : memref<4x128xi32, #tpu.memory_space<vmem>> -> memref<1x128xi32, #tpu.memory_space<vmem>>
    %dma_start3A_26 = tpu.memref_squeeze %dma_start3A_25 : memref<1x128xi32, #tpu.memory_space<vmem>> -> memref<128xi32, #tpu.memory_space<vmem>>
    %dma_start3A_27 = arith.constant 0 : i32
    %dma_start3A_28 = tpu.memref_slice %arg4[%add3A, %dma_start3A_16, %dma_start3A_27] : memref<32x88x128xi32, #tpu.memory_space<hbm>> -> memref<1x1x128xi32, #tpu.memory_space<hbm>>
    %dma_start3A_29 = tpu.memref_squeeze %dma_start3A_28 : memref<1x1x128xi32, #tpu.memory_space<hbm>> -> memref<128xi32, #tpu.memory_space<hbm>>
    tpu.enqueue_dma source(%dma_start3A_29 : memref<128xi32, #tpu.memory_space<hbm>>) target(%dma_start3A_26 : memref<128xi32, #tpu.memory_space<vmem>>) target_semaphore(%arg13 : memref<!tpu.dma_semaphore, #tpu.memory_space<semaphore_mem>>)
    %dma_start3A_30 = arith.constant 1 : i32
    %dma_start3A_31 = arith.constant 1 : i32
    %dma_start3A_32 = arith.constant 0 : i32
    %dma_start3A_33 = tpu.memref_slice %arg7[%dma_start3A_31, %dma_start3A_32] : memref<4x128xi32, #tpu.memory_space<vmem>> -> memref<1x128xi32, #tpu.memory_space<vmem>>
    %dma_start3A_34 = tpu.memref_squeeze %dma_start3A_33 : memref<1x128xi32, #tpu.memory_space<vmem>> -> memref<128xi32, #tpu.memory_space<vmem>>
    %dma_start3A_35 = arith.constant 0 : i32
    %dma_start3A_36 = tpu.memref_slice %arg3[%add3A, %dma_start3A_30, %dma_start3A_35] : memref<32x88x128xi32, #tpu.memory_space<hbm>> -> memref<1x1x128xi32, #tpu.memory_space<hbm>>
    %dma_start3A_37 = tpu.memref_squeeze %dma_start3A_36 : memref<1x1x128xi32, #tpu.memory_space<hbm>> -> memref<128xi32, #tpu.memory_space<hbm>>
    %dma_start3A_38 = arith.constant 0 : i32
    %dma_start3A_39 = tpu.memref_slice %arg7[%dma_start3A_31, %dma_start3A_38] : memref<4x128xi32, #tpu.memory_space<vmem>> -> memref<1x128xi32, #tpu.memory_space<vmem>>
    %dma_start3A_40 = tpu.memref_squeeze %dma_start3A_39 : memref<1x128xi32, #tpu.memory_space<vmem>> -> memref<128xi32, #tpu.memory_space<vmem>>
    %dma_start3A_41 = arith.constant 0 : i32
    %dma_start3A_42 = tpu.memref_slice %arg3[%add3A, %dma_start3A_30, %dma_start3A_41] : memref<32x88x128xi32, #tpu.memory_space<hbm>> -> memref<1x1x128xi32, #tpu.memory_space<hbm>>
    %dma_start3A_43 = tpu.memref_squeeze %dma_start3A_42 : memref<1x1x128xi32, #tpu.memory_space<hbm>> -> memref<128xi32, #tpu.memory_space<hbm>>
    tpu.enqueue_dma source(%dma_start3A_43 : memref<128xi32, #tpu.memory_space<hbm>>) target(%dma_start3A_40 : memref<128xi32, #tpu.memory_space<vmem>>) target_semaphore(%arg14 : memref<!tpu.dma_semaphore, #tpu.memory_space<semaphore_mem>>)
    %dma_start3A_44 = arith.constant 1 : i32
    %dma_start3A_45 = arith.constant 1 : i32
    %dma_start3A_46 = arith.constant 0 : i32
    %dma_start3A_47 = tpu.memref_slice %arg8[%dma_start3A_45, %dma_start3A_46] : memref<4x128xi32, #tpu.memory_space<vmem>> -> memref<1x128xi32, #tpu.memory_space<vmem>>
    %dma_start3A_48 = tpu.memref_squeeze %dma_start3A_47 : memref<1x128xi32, #tpu.memory_space<vmem>> -> memref<128xi32, #tpu.memory_space<vmem>>
    %dma_start3A_49 = arith.constant 0 : i32
    %dma_start3A_50 = tpu.memref_slice %arg4[%add3A, %dma_start3A_44, %dma_start3A_49] : memref<32x88x128xi32, #tpu.memory_space<hbm>> -> memref<1x1x128xi32, #tpu.memory_space<hbm>>
    %dma_start3A_51 = tpu.memref_squeeze %dma_start3A_50 : memref<1x1x128xi32, #tpu.memory_space<hbm>> -> memref<128xi32, #tpu.memory_space<hbm>>
    %dma_start3A_52 = arith.constant 0 : i32
    %dma_start3A_53 = tpu.memref_slice %arg8[%dma_start3A_45, %dma_start3A_52] : memref<4x128xi32, #tpu.memory_space<vmem>> -> memref<1x128xi32, #tpu.memory_space<vmem>>
    %dma_start3A_54 = tpu.memref_squeeze %dma_start3A_53 : memref<1x128xi32, #tpu.memory_space<vmem>> -> memref<128xi32, #tpu.memory_space<vmem>>
    %dma_start3A_55 = arith.constant 0 : i32
    %dma_start3A_56 = tpu.memref_slice %arg4[%add3A, %dma_start3A_44, %dma_start3A_55] : memref<32x88x128xi32, #tpu.memory_space<hbm>> -> memref<1x1x128xi32, #tpu.memory_space<hbm>>
    %dma_start3A_57 = tpu.memref_squeeze %dma_start3A_56 : memref<1x1x128xi32, #tpu.memory_space<hbm>> -> memref<128xi32, #tpu.memory_space<hbm>>
    tpu.enqueue_dma source(%dma_start3A_57 : memref<128xi32, #tpu.memory_space<hbm>>) target(%dma_start3A_54 : memref<128xi32, #tpu.memory_space<vmem>>) target_semaphore(%arg14 : memref<!tpu.dma_semaphore, #tpu.memory_space<semaphore_mem>>)
    %dma_start3A_58 = arith.constant 2 : i32
    %dma_start3A_59 = arith.constant 2 : i32
    %dma_start3A_60 = arith.constant 0 : i32
    %dma_start3A_61 = tpu.memref_slice %arg7[%dma_start3A_59, %dma_start3A_60] : memref<4x128xi32, #tpu.memory_space<vmem>> -> memref<1x128xi32, #tpu.memory_space<vmem>>
    %dma_start3A_62 = tpu.memref_squeeze %dma_start3A_61 : memref<1x128xi32, #tpu.memory_space<vmem>> -> memref<128xi32, #tpu.memory_space<vmem>>
    %dma_start3A_63 = arith.constant 0 : i32
    %dma_start3A_64 = tpu.memref_slice %arg3[%add3A, %dma_start3A_58, %dma_start3A_63] : memref<32x88x128xi32, #tpu.memory_space<hbm>> -> memref<1x1x128xi32, #tpu.memory_space<hbm>>
    %dma_start3A_65 = tpu.memref_squeeze %dma_start3A_64 : memref<1x1x128xi32, #tpu.memory_space<hbm>> -> memref<128xi32, #tpu.memory_space<hbm>>
    %dma_start3A_66 = arith.constant 0 : i32
    %dma_start3A_67 = tpu.memref_slice %arg7[%dma_start3A_59, %dma_start3A_66] : memref<4x128xi32, #tpu.memory_space<vmem>> -> memref<1x128xi32, #tpu.memory_space<vmem>>
    %dma_start3A_68 = tpu.memref_squeeze %dma_start3A_67 : memref<1x128xi32, #tpu.memory_space<vmem>> -> memref<128xi32, #tpu.memory_space<vmem>>
    %dma_start3A_69 = arith.constant 0 : i32
    %dma_start3A_70 = tpu.memref_slice %arg3[%add3A, %dma_start3A_58, %dma_start3A_69] : memref<32x88x128xi32, #tpu.memory_space<hbm>> -> memref<1x1x128xi32, #tpu.memory_space<hbm>>
    %dma_start3A_71 = tpu.memref_squeeze %dma_start3A_70 : memref<1x1x128xi32, #tpu.memory_space<hbm>> -> memref<128xi32, #tpu.memory_space<hbm>>
    tpu.enqueue_dma source(%dma_start3A_71 : memref<128xi32, #tpu.memory_space<hbm>>) target(%dma_start3A_68 : memref<128xi32, #tpu.memory_space<vmem>>) target_semaphore(%arg15 : memref<!tpu.dma_semaphore, #tpu.memory_space<semaphore_mem>>)
    %dma_start3A_72 = arith.constant 2 : i32
    %dma_start3A_73 = arith.constant 2 : i32
    %dma_start3A_74 = arith.constant 0 : i32
    %dma_start3A_75 = tpu.memref_slice %arg8[%dma_start3A_73, %dma_start3A_74] : memref<4x128xi32, #tpu.memory_space<vmem>> -> memref<1x128xi32, #tpu.memory_space<vmem>>
    %dma_start3A_76 = tpu.memref_squeeze %dma_start3A_75 : memref<1x128xi32, #tpu.memory_space<vmem>> -> memref<128xi32, #tpu.memory_space<vmem>>
    %dma_start3A_77 = arith.constant 0 : i32
    %dma_start3A_78 = tpu.memref_slice %arg4[%add3A, %dma_start3A_72, %dma_start3A_77] : memref<32x88x128xi32, #tpu.memory_space<hbm>> -> memref<1x1x128xi32, #tpu.memory_space<hbm>>
    %dma_start3A_79 = tpu.memref_squeeze %dma_start3A_78 : memref<1x1x128xi32, #tpu.memory_space<hbm>> -> memref<128xi32, #tpu.memory_space<hbm>>
    %dma_start3A_80 = arith.constant 0 : i32
    %dma_start3A_81 = tpu.memref_slice %arg8[%dma_start3A_73, %dma_start3A_80] : memref<4x128xi32, #tpu.memory_space<vmem>> -> memref<1x128xi32, #tpu.memory_space<vmem>>
    %dma_start3A_82 = tpu.memref_squeeze %dma_start3A_81 : memref<1x128xi32, #tpu.memory_space<vmem>> -> memref<128xi32, #tpu.memory_space<vmem>>
    %dma_start3A_83 = arith.constant 0 : i32
    %dma_start3A_84 = tpu.memref_slice %arg4[%add3A, %dma_start3A_72, %dma_start3A_83] : memref<32x88x128xi32, #tpu.memory_space<hbm>> -> memref<1x1x128xi32, #tpu.memory_space<hbm>>
    %dma_start3A_85 = tpu.memref_squeeze %dma_start3A_84 : memref<1x1x128xi32, #tpu.memory_space<hbm>> -> memref<128xi32, #tpu.memory_space<hbm>>
    tpu.enqueue_dma source(%dma_start3A_85 : memref<128xi32, #tpu.memory_space<hbm>>) target(%dma_start3A_82 : memref<128xi32, #tpu.memory_space<vmem>>) target_semaphore(%arg15 : memref<!tpu.dma_semaphore, #tpu.memory_space<semaphore_mem>>)
    %dma_start3A_86 = arith.constant 3 : i32
    %dma_start3A_87 = arith.constant 3 : i32
    %dma_start3A_88 = arith.constant 0 : i32
    %dma_start3A_89 = tpu.memref_slice %arg7[%dma_start3A_87, %dma_start3A_88] : memref<4x128xi32, #tpu.memory_space<vmem>> -> memref<1x128xi32, #tpu.memory_space<vmem>>
    %dma_start3A_90 = tpu.memref_squeeze %dma_start3A_89 : memref<1x128xi32, #tpu.memory_space<vmem>> -> memref<128xi32, #tpu.memory_space<vmem>>
    %dma_start3A_91 = arith.constant 0 : i32
    %dma_start3A_92 = tpu.memref_slice %arg3[%add3A, %dma_start3A_86, %dma_start3A_91] : memref<32x88x128xi32, #tpu.memory_space<hbm>> -> memref<1x1x128xi32, #tpu.memory_space<hbm>>
    %dma_start3A_93 = tpu.memref_squeeze %dma_start3A_92 : memref<1x1x128xi32, #tpu.memory_space<hbm>> -> memref<128xi32, #tpu.memory_space<hbm>>
    %dma_start3A_94 = arith.constant 0 : i32
    %dma_start3A_95 = tpu.memref_slice %arg7[%dma_start3A_87, %dma_start3A_94] : memref<4x128xi32, #tpu.memory_space<vmem>> -> memref<1x128xi32, #tpu.memory_space<vmem>>
    %dma_start3A_96 = tpu.memref_squeeze %dma_start3A_95 : memref<1x128xi32, #tpu.memory_space<vmem>> -> memref<128xi32, #tpu.memory_space<vmem>>
    %dma_start3A_97 = arith.constant 0 : i32
    %dma_start3A_98 = tpu.memref_slice %arg3[%add3A, %dma_start3A_86, %dma_start3A_97] : memref<32x88x128xi32, #tpu.memory_space<hbm>> -> memref<1x1x128xi32, #tpu.memory_space<hbm>>
    %dma_start3A_99 = tpu.memref_squeeze %dma_start3A_98 : memref<1x1x128xi32, #tpu.memory_space<hbm>> -> memref<128xi32, #tpu.memory_space<hbm>>
    tpu.enqueue_dma source(%dma_start3A_99 : memref<128xi32, #tpu.memory_space<hbm>>) target(%dma_start3A_96 : memref<128xi32, #tpu.memory_space<vmem>>) target_semaphore(%arg16 : memref<!tpu.dma_semaphore, #tpu.memory_space<semaphore_mem>>)
    %dma_start3A_100 = arith.constant 3 : i32
    %dma_start3A_101 = arith.constant 3 : i32
    %dma_start3A_102 = arith.constant 0 : i32
    %dma_start3A_103 = tpu.memref_slice %arg8[%dma_start3A_101, %dma_start3A_102] : memref<4x128xi32, #tpu.memory_space<vmem>> -> memref<1x128xi32, #tpu.memory_space<vmem>>
    %dma_start3A_104 = tpu.memref_squeeze %dma_start3A_103 : memref<1x128xi32, #tpu.memory_space<vmem>> -> memref<128xi32, #tpu.memory_space<vmem>>
    %dma_start3A_105 = arith.constant 0 : i32
    %dma_start3A_106 = tpu.memref_slice %arg4[%add3A, %dma_start3A_100, %dma_start3A_105] : memref<32x88x128xi32, #tpu.memory_space<hbm>> -> memref<1x1x128xi32, #tpu.memory_space<hbm>>
    %dma_start3A_107 = tpu.memref_squeeze %dma_start3A_106 : memref<1x1x128xi32, #tpu.memory_space<hbm>> -> memref<128xi32, #tpu.memory_space<hbm>>
    %dma_start3A_108 = arith.constant 0 : i32
    %dma_start3A_109 = tpu.memref_slice %arg8[%dma_start3A_101, %dma_start3A_108] : memref<4x128xi32, #tpu.memory_space<vmem>> -> memref<1x128xi32, #tpu.memory_space<vmem>>
    %dma_start3A_110 = tpu.memref_squeeze %dma_start3A_109 : memref<1x128xi32, #tpu.memory_space<vmem>> -> memref<128xi32, #tpu.memory_space<vmem>>
    %dma_start3A_111 = arith.constant 0 : i32
    %dma_start3A_112 = tpu.memref_slice %arg4[%add3A, %dma_start3A_100, %dma_start3A_111] : memref<32x88x128xi32, #tpu.memory_space<hbm>> -> memref<1x1x128xi32, #tpu.memory_space<hbm>>
    %dma_start3A_113 = tpu.memref_squeeze %dma_start3A_112 : memref<1x1x128xi32, #tpu.memory_space<hbm>> -> memref<128xi32, #tpu.memory_space<hbm>>
    tpu.enqueue_dma source(%dma_start3A_113 : memref<128xi32, #tpu.memory_space<hbm>>) target(%dma_start3A_110 : memref<128xi32, #tpu.memory_space<vmem>>) target_semaphore(%arg16 : memref<!tpu.dma_semaphore, #tpu.memory_space<semaphore_mem>>)
    %barrier3A = arith.constant 0 : index
    tpu.barrier barrier_id(%barrier3A)
    %dma_wait3A = arith.constant 0 : i32
    %dma_wait3A_114 = arith.constant 0 : i32
    %dma_wait3A_115 = arith.constant 0 : i32
    %dma_wait3A_116 = tpu.memref_slice %arg7[%dma_wait3A_114, %dma_wait3A_115] : memref<4x128xi32, #tpu.memory_space<vmem>> -> memref<1x128xi32, #tpu.memory_space<vmem>>
    %dma_wait3A_117 = tpu.memref_squeeze %dma_wait3A_116 : memref<1x128xi32, #tpu.memory_space<vmem>> -> memref<128xi32, #tpu.memory_space<vmem>>
    %dma_wait3A_118 = arith.constant 0 : i32
    %dma_wait3A_119 = tpu.memref_slice %arg3[%add3A, %dma_wait3A, %dma_wait3A_118] : memref<32x88x128xi32, #tpu.memory_space<hbm>> -> memref<1x1x128xi32, #tpu.memory_space<hbm>>
    %dma_wait3A_120 = tpu.memref_squeeze %dma_wait3A_119 : memref<1x1x128xi32, #tpu.memory_space<hbm>> -> memref<128xi32, #tpu.memory_space<hbm>>
    %dma_wait3A_121 = arith.constant 0 : i32
    %dma_wait3A_122 = tpu.memref_slice %arg7[%dma_wait3A_114, %dma_wait3A_121] : memref<4x128xi32, #tpu.memory_space<vmem>> -> memref<1x128xi32, #tpu.memory_space<vmem>>
    %dma_wait3A_123 = tpu.memref_squeeze %dma_wait3A_122 : memref<1x128xi32, #tpu.memory_space<vmem>> -> memref<128xi32, #tpu.memory_space<vmem>>
    %dma_wait3A_124 = arith.constant 0 : i32
    %dma_wait3A_125 = tpu.memref_slice %arg3[%add3A, %dma_wait3A, %dma_wait3A_124] : memref<32x88x128xi32, #tpu.memory_space<hbm>> -> memref<1x1x128xi32, #tpu.memory_space<hbm>>
    %dma_wait3A_126 = tpu.memref_squeeze %dma_wait3A_125 : memref<1x1x128xi32, #tpu.memory_space<hbm>> -> memref<128xi32, #tpu.memory_space<hbm>>
    tpu.wait_dma2 semaphore(%arg13 : memref<!tpu.dma_semaphore, #tpu.memory_space<semaphore_mem>>) src(%dma_wait3A_126 : memref<128xi32, #tpu.memory_space<hbm>>) dst(%dma_wait3A_123 : memref<128xi32, #tpu.memory_space<vmem>>)
    %dma_wait3A_127 = arith.constant 0 : i32
    %dma_wait3A_128 = arith.constant 0 : i32
    %dma_wait3A_129 = arith.constant 0 : i32
    %dma_wait3A_130 = tpu.memref_slice %arg8[%dma_wait3A_128, %dma_wait3A_129] : memref<4x128xi32, #tpu.memory_space<vmem>> -> memref<1x128xi32, #tpu.memory_space<vmem>>
    %dma_wait3A_131 = tpu.memref_squeeze %dma_wait3A_130 : memref<1x128xi32, #tpu.memory_space<vmem>> -> memref<128xi32, #tpu.memory_space<vmem>>
    %dma_wait3A_132 = arith.constant 0 : i32
    %dma_wait3A_133 = tpu.memref_slice %arg4[%add3A, %dma_wait3A_127, %dma_wait3A_132] : memref<32x88x128xi32, #tpu.memory_space<hbm>> -> memref<1x1x128xi32, #tpu.memory_space<hbm>>
    %dma_wait3A_134 = tpu.memref_squeeze %dma_wait3A_133 : memref<1x1x128xi32, #tpu.memory_space<hbm>> -> memref<128xi32, #tpu.memory_space<hbm>>
    %dma_wait3A_135 = arith.constant 0 : i32
    %dma_wait3A_136 = tpu.memref_slice %arg8[%dma_wait3A_128, %dma_wait3A_135] : memref<4x128xi32, #tpu.memory_space<vmem>> -> memref<1x128xi32, #tpu.memory_space<vmem>>
    %dma_wait3A_137 = tpu.memref_squeeze %dma_wait3A_136 : memref<1x128xi32, #tpu.memory_space<vmem>> -> memref<128xi32, #tpu.memory_space<vmem>>
    %dma_wait3A_138 = arith.constant 0 : i32
    %dma_wait3A_139 = tpu.memref_slice %arg4[%add3A, %dma_wait3A_127, %dma_wait3A_138] : memref<32x88x128xi32, #tpu.memory_space<hbm>> -> memref<1x1x128xi32, #tpu.memory_space<hbm>>
    %dma_wait3A_140 = tpu.memref_squeeze %dma_wait3A_139 : memref<1x1x128xi32, #tpu.memory_space<hbm>> -> memref<128xi32, #tpu.memory_space<hbm>>
    tpu.wait_dma2 semaphore(%arg13 : memref<!tpu.dma_semaphore, #tpu.memory_space<semaphore_mem>>) src(%dma_wait3A_140 : memref<128xi32, #tpu.memory_space<hbm>>) dst(%dma_wait3A_137 : memref<128xi32, #tpu.memory_space<vmem>>)
    %dma_start3A_141 = arith.constant 0 : i32
    %dma_start3A_142 = arith.constant 0 : i32
    %dma_start3A_143 = arith.constant 0 : i32
    %dma_start3A_144 = arith.constant 0 : i32
    %dma_start3A_145 = tpu.memref_slice %arg9[%dma_start3A_142, %dma_start3A_143, %dma_start3A_144] : memref<2x128x128xf32, #tpu.memory_space<vmem>> -> memref<1x128x128xf32, #tpu.memory_space<vmem>>
    %dma_start3A_146 = tpu.memref_squeeze %dma_start3A_145 : memref<1x128x128xf32, #tpu.memory_space<vmem>> -> memref<128x128xf32, #tpu.memory_space<vmem>>
    %dma_start3A_147 = arith.constant 0 : i32
    %dma_start3A_148 = tpu.memref_slice %arg7[%dma_start3A_141, %dma_start3A_147] : memref<4x128xi32, #tpu.memory_space<vmem>> -> memref<1x128xi32, #tpu.memory_space<vmem>>
    %dma_start3A_149 = tpu.memref_squeeze %dma_start3A_148 : memref<1x128xi32, #tpu.memory_space<vmem>> -> memref<128xi32, #tpu.memory_space<vmem>>
    %dma_start3A_150 = arith.constant 0 : i32
    %dma_start3A_151 = arith.constant 0 : i32
    %dma_start3A_152 = tpu.memref_slice %arg2[%dma_start3A_150, %dma_start3A_151] : memref<10000x128xf32, #tpu.memory_space<hbm>> -> memref<10000x128xf32, #tpu.memory_space<hbm>>
    tpu.enqueue_indirect_dma source(%dma_start3A_152 : memref<10000x128xf32, #tpu.memory_space<hbm>>) target(%dma_start3A_146 : memref<128x128xf32, #tpu.memory_space<vmem>>) offsets(%dma_start3A_149 : memref<128xi32, #tpu.memory_space<vmem>>) semaphore(%arg11 : memref<!tpu.dma_semaphore, #tpu.memory_space<semaphore_mem>>)
    %dma_wait3A_153 = arith.constant 0 : i32
    %dma_wait3A_154 = arith.constant 1 : i32
    %dma_wait3A_155 = arith.constant 0 : i32
    %dma_wait3A_156 = tpu.memref_slice %arg7[%dma_wait3A_154, %dma_wait3A_155] : memref<4x128xi32, #tpu.memory_space<vmem>> -> memref<1x128xi32, #tpu.memory_space<vmem>>
    %dma_wait3A_157 = tpu.memref_squeeze %dma_wait3A_156 : memref<1x128xi32, #tpu.memory_space<vmem>> -> memref<128xi32, #tpu.memory_space<vmem>>
    %dma_wait3A_158 = arith.constant 0 : i32
    %dma_wait3A_159 = tpu.memref_slice %arg3[%add3A, %dma_wait3A_153, %dma_wait3A_158] : memref<32x88x128xi32, #tpu.memory_space<hbm>> -> memref<1x1x128xi32, #tpu.memory_space<hbm>>
    %dma_wait3A_160 = tpu.memref_squeeze %dma_wait3A_159 : memref<1x1x128xi32, #tpu.memory_space<hbm>> -> memref<128xi32, #tpu.memory_space<hbm>>
    %dma_wait3A_161 = arith.constant 0 : i32
    %dma_wait3A_162 = tpu.memref_slice %arg7[%dma_wait3A_154, %dma_wait3A_161] : memref<4x128xi32, #tpu.memory_space<vmem>> -> memref<1x128xi32, #tpu.memory_space<vmem>>
    %dma_wait3A_163 = tpu.memref_squeeze %dma_wait3A_162 : memref<1x128xi32, #tpu.memory_space<vmem>> -> memref<128xi32, #tpu.memory_space<vmem>>
    %dma_wait3A_164 = arith.constant 0 : i32
    %dma_wait3A_165 = tpu.memref_slice %arg3[%add3A, %dma_wait3A_153, %dma_wait3A_164] : memref<32x88x128xi32, #tpu.memory_space<hbm>> -> memref<1x1x128xi32, #tpu.memory_space<hbm>>
    %dma_wait3A_166 = tpu.memref_squeeze %dma_wait3A_165 : memref<1x1x128xi32, #tpu.memory_space<hbm>> -> memref<128xi32, #tpu.memory_space<hbm>>
    tpu.wait_dma2 semaphore(%arg14 : memref<!tpu.dma_semaphore, #tpu.memory_space<semaphore_mem>>) src(%dma_wait3A_166 : memref<128xi32, #tpu.memory_space<hbm>>) dst(%dma_wait3A_163 : memref<128xi32, #tpu.memory_space<vmem>>)
    %dma_wait3A_167 = arith.constant 0 : i32
    %dma_wait3A_168 = arith.constant 1 : i32
    %dma_wait3A_169 = arith.constant 0 : i32
    %dma_wait3A_170 = tpu.memref_slice %arg8[%dma_wait3A_168, %dma_wait3A_169] : memref<4x128xi32, #tpu.memory_space<vmem>> -> memref<1x128xi32, #tpu.memory_space<vmem>>
    %dma_wait3A_171 = tpu.memref_squeeze %dma_wait3A_170 : memref<1x128xi32, #tpu.memory_space<vmem>> -> memref<128xi32, #tpu.memory_space<vmem>>
    %dma_wait3A_172 = arith.constant 0 : i32
    %dma_wait3A_173 = tpu.memref_slice %arg4[%add3A, %dma_wait3A_167, %dma_wait3A_172] : memref<32x88x128xi32, #tpu.memory_space<hbm>> -> memref<1x1x128xi32, #tpu.memory_space<hbm>>
    %dma_wait3A_174 = tpu.memref_squeeze %dma_wait3A_173 : memref<1x1x128xi32, #tpu.memory_space<hbm>> -> memref<128xi32, #tpu.memory_space<hbm>>
    %dma_wait3A_175 = arith.constant 0 : i32
    %dma_wait3A_176 = tpu.memref_slice %arg8[%dma_wait3A_168, %dma_wait3A_175] : memref<4x128xi32, #tpu.memory_space<vmem>> -> memref<1x128xi32, #tpu.memory_space<vmem>>
    %dma_wait3A_177 = tpu.memref_squeeze %dma_wait3A_176 : memref<1x128xi32, #tpu.memory_space<vmem>> -> memref<128xi32, #tpu.memory_space<vmem>>
    %dma_wait3A_178 = arith.constant 0 : i32
    %dma_wait3A_179 = tpu.memref_slice %arg4[%add3A, %dma_wait3A_167, %dma_wait3A_178] : memref<32x88x128xi32, #tpu.memory_space<hbm>> -> memref<1x1x128xi32, #tpu.memory_space<hbm>>
    %dma_wait3A_180 = tpu.memref_squeeze %dma_wait3A_179 : memref<1x1x128xi32, #tpu.memory_space<hbm>> -> memref<128xi32, #tpu.memory_space<hbm>>
    tpu.wait_dma2 semaphore(%arg14 : memref<!tpu.dma_semaphore, #tpu.memory_space<semaphore_mem>>) src(%dma_wait3A_180 : memref<128xi32, #tpu.memory_space<hbm>>) dst(%dma_wait3A_177 : memref<128xi32, #tpu.memory_space<vmem>>)
    %dma_start3A_181 = arith.constant 1 : i32
    %dma_start3A_182 = arith.constant 1 : i32
    %dma_start3A_183 = arith.constant 0 : i32
    %dma_start3A_184 = arith.constant 0 : i32
    %dma_start3A_185 = tpu.memref_slice %arg9[%dma_start3A_182, %dma_start3A_183, %dma_start3A_184] : memref<2x128x128xf32, #tpu.memory_space<vmem>> -> memref<1x128x128xf32, #tpu.memory_space<vmem>>
    %dma_start3A_186 = tpu.memref_squeeze %dma_start3A_185 : memref<1x128x128xf32, #tpu.memory_space<vmem>> -> memref<128x128xf32, #tpu.memory_space<vmem>>
    %dma_start3A_187 = arith.constant 0 : i32
    %dma_start3A_188 = tpu.memref_slice %arg7[%dma_start3A_181, %dma_start3A_187] : memref<4x128xi32, #tpu.memory_space<vmem>> -> memref<1x128xi32, #tpu.memory_space<vmem>>
    %dma_start3A_189 = tpu.memref_squeeze %dma_start3A_188 : memref<1x128xi32, #tpu.memory_space<vmem>> -> memref<128xi32, #tpu.memory_space<vmem>>
    %dma_start3A_190 = arith.constant 0 : i32
    %dma_start3A_191 = arith.constant 0 : i32
    %dma_start3A_192 = tpu.memref_slice %arg2[%dma_start3A_190, %dma_start3A_191] : memref<10000x128xf32, #tpu.memory_space<hbm>> -> memref<10000x128xf32, #tpu.memory_space<hbm>>
    tpu.enqueue_indirect_dma source(%dma_start3A_192 : memref<10000x128xf32, #tpu.memory_space<hbm>>) target(%dma_start3A_186 : memref<128x128xf32, #tpu.memory_space<vmem>>) offsets(%dma_start3A_189 : memref<128xi32, #tpu.memory_space<vmem>>) semaphore(%arg12 : memref<!tpu.dma_semaphore, #tpu.memory_space<semaphore_mem>>)
    %scan3A = arith.constant 0 : i32
    %scan3A_193 = arith.constant 0 : i32
    %scan3A_194 = arith.constant 22 : i32
    %scan3A_195 = arith.addi %scan3A_193, %scan3A_194 : i32
    %scan3A_196 = arith.constant 1 : i32
    scf.for %scan3A_199 = %scan3A_193 to %scan3A_195 step %scan3A_196  : i32 {
      %mul3A_200 = arith.constant 4 : i32
      %mul3A_201 = arith.muli %scan3A_199, %mul3A_200 : i32
      %add3A_202 = arith.constant 0 : i32
      %add3A_203 = arith.addi %mul3A_201, %add3A_202 : i32
      %dma_wait3A_204 = arith.constant 0 : i32
      %dma_wait3A_205 = arith.constant 0 : i32
      %dma_wait3A_206 = arith.constant 0 : i32
      %dma_wait3A_207 = arith.constant 0 : i32
      %dma_wait3A_208 = tpu.memref_slice %arg9[%dma_wait3A_205, %dma_wait3A_206, %dma_wait3A_207] : memref<2x128x128xf32, #tpu.memory_space<vmem>> -> memref<1x128x128xf32, #tpu.memory_space<vmem>>
      %dma_wait3A_209 = tpu.memref_squeeze %dma_wait3A_208 : memref<1x128x128xf32, #tpu.memory_space<vmem>> -> memref<128x128xf32, #tpu.memory_space<vmem>>
      %dma_wait3A_210 = arith.constant 0 : i32
      %dma_wait3A_211 = tpu.memref_slice %arg7[%dma_wait3A_204, %dma_wait3A_210] : memref<4x128xi32, #tpu.memory_space<vmem>> -> memref<1x128xi32, #tpu.memory_space<vmem>>
      %dma_wait3A_212 = tpu.memref_squeeze %dma_wait3A_211 : memref<1x128xi32, #tpu.memory_space<vmem>> -> memref<128xi32, #tpu.memory_space<vmem>>
      %dma_wait3A_213 = arith.constant 0 : i32
      %dma_wait3A_214 = arith.constant 0 : i32
      %dma_wait3A_215 = tpu.memref_slice %arg2[%dma_wait3A_213, %dma_wait3A_214] : memref<10000x128xf32, #tpu.memory_space<hbm>> -> memref<10000x128xf32, #tpu.memory_space<hbm>>
      tpu.wait_indirect_dma semaphore(%arg11 : memref<!tpu.dma_semaphore, #tpu.memory_space<semaphore_mem>>) src(%dma_wait3A_215 : memref<10000x128xf32, #tpu.memory_space<hbm>>) dst(%dma_wait3A_209 : memref<128x128xf32, #tpu.memory_space<vmem>>)
      %run_scoped3A = arith.constant 0 : i32
      %run_scoped3A_216 = arith.constant 0 : i32
      "tpu.region"() ({
        %run_scoped3A_324 = tpu.sem_alloc : memref<!tpu.dma_semaphore, #tpu.memory_space<semaphore_mem>>
        %dma_start3A_325 = arith.constant 0 : i32
        %dma_start3A_326 = arith.constant 0 : i32
        %dma_start3A_327 = tpu.memref_slice %arg9[%run_scoped3A, %dma_start3A_325, %dma_start3A_326] : memref<2x128x128xf32, #tpu.memory_space<vmem>> -> memref<1x128x128xf32, #tpu.memory_space<vmem>>
        %dma_start3A_328 = tpu.memref_squeeze %dma_start3A_327 : memref<1x128x128xf32, #tpu.memory_space<vmem>> -> memref<128x128xf32, #tpu.memory_space<vmem>>
        %dma_start3A_329 = arith.constant 0 : i32
        %dma_start3A_330 = tpu.memref_slice %arg8[%run_scoped3A_216, %dma_start3A_329] : memref<4x128xi32, #tpu.memory_space<vmem>> -> memref<1x128xi32, #tpu.memory_space<vmem>>
        %dma_start3A_331 = tpu.memref_squeeze %dma_start3A_330 : memref<1x128xi32, #tpu.memory_space<vmem>> -> memref<128xi32, #tpu.memory_space<vmem>>
        %dma_start3A_332 = arith.constant 0 : i32
        %dma_start3A_333 = arith.constant 0 : i32
        %dma_start3A_334 = tpu.memref_slice %arg10[%dma_start3A_332, %dma_start3A_333] : memref<10128x128xf32, #tpu.memory_space<vmem_shared>> -> memref<10128x128xf32, #tpu.memory_space<vmem_shared>>
        tpu.enqueue_indirect_dma source(%dma_start3A_328 : memref<128x128xf32, #tpu.memory_space<vmem>>) target(%dma_start3A_334 : memref<10128x128xf32, #tpu.memory_space<vmem_shared>>) offsets(%dma_start3A_331 : memref<128xi32, #tpu.memory_space<vmem>>) semaphore(%run_scoped3A_324 : memref<!tpu.dma_semaphore, #tpu.memory_space<semaphore_mem>>) {add = true}
        %dma_wait3A_335 = arith.constant 0 : i32
        %dma_wait3A_336 = arith.constant 0 : i32
        %dma_wait3A_337 = tpu.memref_slice %arg9[%run_scoped3A, %dma_wait3A_335, %dma_wait3A_336] : memref<2x128x128xf32, #tpu.memory_space<vmem>> -> memref<1x128x128xf32, #tpu.memory_space<vmem>>
        %dma_wait3A_338 = tpu.memref_squeeze %dma_wait3A_337 : memref<1x128x128xf32, #tpu.memory_space<vmem>> -> memref<128x128xf32, #tpu.memory_space<vmem>>
        %dma_wait3A_339 = arith.constant 0 : i32
        %dma_wait3A_340 = tpu.memref_slice %arg8[%run_scoped3A_216, %dma_wait3A_339] : memref<4x128xi32, #tpu.memory_space<vmem>> -> memref<1x128xi32, #tpu.memory_space<vmem>>
        %dma_wait3A_341 = tpu.memref_squeeze %dma_wait3A_340 : memref<1x128xi32, #tpu.memory_space<vmem>> -> memref<128xi32, #tpu.memory_space<vmem>>
        %dma_wait3A_342 = arith.constant 0 : i32
        %dma_wait3A_343 = arith.constant 0 : i32
        %dma_wait3A_344 = tpu.memref_slice %arg10[%dma_wait3A_342, %dma_wait3A_343] : memref<10128x128xf32, #tpu.memory_space<vmem_shared>> -> memref<10128x128xf32, #tpu.memory_space<vmem_shared>>
        tpu.wait_indirect_dma semaphore(%run_scoped3A_324 : memref<!tpu.dma_semaphore, #tpu.memory_space<semaphore_mem>>) src(%dma_wait3A_338 : memref<128x128xf32, #tpu.memory_space<vmem>>) dst(%dma_wait3A_344 : memref<10128x128xf32, #tpu.memory_space<vmem_shared>>)
        tpu.yield
      }) : () -> ()
      %add3A_217 = arith.constant 4 : i32
      %add3A_218 = arith.addi %add3A_203, %add3A_217 : i32
      %lt3A = arith.constant 88 : i32
      %lt3A_219 = arith.cmpi slt, %add3A_218, %lt3A : i32
      %convert_element_type3A = arith.extui %lt3A_219 : i1 to i32
      %cond3A = arith.constant 0 : i32
      %cond3A_220 = arith.cmpi ne, %convert_element_type3A, %cond3A : i32
      scf.if %cond3A_220 {
        %add3A_324 = arith.constant 4 : i32
        %add3A_325 = arith.addi %add3A_203, %add3A_324 : i32
        %dma_start3A_326 = arith.constant 0 : i32
        %dma_start3A_327 = arith.constant 0 : i32
        %dma_start3A_328 = tpu.memref_slice %arg7[%dma_start3A_326, %dma_start3A_327] : memref<4x128xi32, #tpu.memory_space<vmem>> -> memref<1x128xi32, #tpu.memory_space<vmem>>
        %dma_start3A_329 = tpu.memref_squeeze %dma_start3A_328 : memref<1x128xi32, #tpu.memory_space<vmem>> -> memref<128xi32, #tpu.memory_space<vmem>>
        %dma_start3A_330 = arith.constant 0 : i32
        %dma_start3A_331 = tpu.memref_slice %arg3[%add3A, %add3A_325, %dma_start3A_330] : memref<32x88x128xi32, #tpu.memory_space<hbm>> -> memref<1x1x128xi32, #tpu.memory_space<hbm>>
        %dma_start3A_332 = tpu.memref_squeeze %dma_start3A_331 : memref<1x1x128xi32, #tpu.memory_space<hbm>> -> memref<128xi32, #tpu.memory_space<hbm>>
        %dma_start3A_333 = arith.constant 0 : i32
        %dma_start3A_334 = tpu.memref_slice %arg7[%dma_start3A_326, %dma_start3A_333] : memref<4x128xi32, #tpu.memory_space<vmem>> -> memref<1x128xi32, #tpu.memory_space<vmem>>
        %dma_start3A_335 = tpu.memref_squeeze %dma_start3A_334 : memref<1x128xi32, #tpu.memory_space<vmem>> -> memref<128xi32, #tpu.memory_space<vmem>>
        %dma_start3A_336 = arith.constant 0 : i32
        %dma_start3A_337 = tpu.memref_slice %arg3[%add3A, %add3A_325, %dma_start3A_336] : memref<32x88x128xi32, #tpu.memory_space<hbm>> -> memref<1x1x128xi32, #tpu.memory_space<hbm>>
        %dma_start3A_338 = tpu.memref_squeeze %dma_start3A_337 : memref<1x1x128xi32, #tpu.memory_space<hbm>> -> memref<128xi32, #tpu.memory_space<hbm>>
        tpu.enqueue_dma source(%dma_start3A_338 : memref<128xi32, #tpu.memory_space<hbm>>) target(%dma_start3A_335 : memref<128xi32, #tpu.memory_space<vmem>>) target_semaphore(%arg13 : memref<!tpu.dma_semaphore, #tpu.memory_space<semaphore_mem>>)
        %dma_start3A_339 = arith.constant 0 : i32
        %dma_start3A_340 = arith.constant 0 : i32
        %dma_start3A_341 = tpu.memref_slice %arg8[%dma_start3A_339, %dma_start3A_340] : memref<4x128xi32, #tpu.memory_space<vmem>> -> memref<1x128xi32, #tpu.memory_space<vmem>>
        %dma_start3A_342 = tpu.memref_squeeze %dma_start3A_341 : memref<1x128xi32, #tpu.memory_space<vmem>> -> memref<128xi32, #tpu.memory_space<vmem>>
        %dma_start3A_343 = arith.constant 0 : i32
        %dma_start3A_344 = tpu.memref_slice %arg4[%add3A, %add3A_325, %dma_start3A_343] : memref<32x88x128xi32, #tpu.memory_space<hbm>> -> memref<1x1x128xi32, #tpu.memory_space<hbm>>
        %dma_start3A_345 = tpu.memref_squeeze %dma_start3A_344 : memref<1x1x128xi32, #tpu.memory_space<hbm>> -> memref<128xi32, #tpu.memory_space<hbm>>
        %dma_start3A_346 = arith.constant 0 : i32
        %dma_start3A_347 = tpu.memref_slice %arg8[%dma_start3A_339, %dma_start3A_346] : memref<4x128xi32, #tpu.memory_space<vmem>> -> memref<1x128xi32, #tpu.memory_space<vmem>>
        %dma_start3A_348 = tpu.memref_squeeze %dma_start3A_347 : memref<1x128xi32, #tpu.memory_space<vmem>> -> memref<128xi32, #tpu.memory_space<vmem>>
        %dma_start3A_349 = arith.constant 0 : i32
        %dma_start3A_350 = tpu.memref_slice %arg4[%add3A, %add3A_325, %dma_start3A_349] : memref<32x88x128xi32, #tpu.memory_space<hbm>> -> memref<1x1x128xi32, #tpu.memory_space<hbm>>
        %dma_start3A_351 = tpu.memref_squeeze %dma_start3A_350 : memref<1x1x128xi32, #tpu.memory_space<hbm>> -> memref<128xi32, #tpu.memory_space<hbm>>
        tpu.enqueue_dma source(%dma_start3A_351 : memref<128xi32, #tpu.memory_space<hbm>>) target(%dma_start3A_348 : memref<128xi32, #tpu.memory_space<vmem>>) target_semaphore(%arg13 : memref<!tpu.dma_semaphore, #tpu.memory_space<semaphore_mem>>)
      } else {
      }
      %add3A_221 = arith.constant 2 : i32
      %add3A_222 = arith.addi %add3A_203, %add3A_221 : i32
      %lt3A_223 = arith.constant 88 : i32
      %lt3A_224 = arith.cmpi slt, %add3A_222, %lt3A_223 : i32
      %convert_element_type3A_225 = arith.extui %lt3A_224 : i1 to i32
      %cond3A_226 = arith.constant 0 : i32
      %cond3A_227 = arith.cmpi ne, %convert_element_type3A_225, %cond3A_226 : i32
      scf.if %cond3A_227 {
        %dma_wait3A_324 = arith.constant 0 : i32
        %dma_wait3A_325 = arith.constant 2 : i32
        %dma_wait3A_326 = arith.constant 0 : i32
        %dma_wait3A_327 = tpu.memref_slice %arg7[%dma_wait3A_325, %dma_wait3A_326] : memref<4x128xi32, #tpu.memory_space<vmem>> -> memref<1x128xi32, #tpu.memory_space<vmem>>
        %dma_wait3A_328 = tpu.memref_squeeze %dma_wait3A_327 : memref<1x128xi32, #tpu.memory_space<vmem>> -> memref<128xi32, #tpu.memory_space<vmem>>
        %dma_wait3A_329 = arith.constant 0 : i32
        %dma_wait3A_330 = tpu.memref_slice %arg3[%add3A, %dma_wait3A_324, %dma_wait3A_329] : memref<32x88x128xi32, #tpu.memory_space<hbm>> -> memref<1x1x128xi32, #tpu.memory_space<hbm>>
        %dma_wait3A_331 = tpu.memref_squeeze %dma_wait3A_330 : memref<1x1x128xi32, #tpu.memory_space<hbm>> -> memref<128xi32, #tpu.memory_space<hbm>>
        %dma_wait3A_332 = arith.constant 0 : i32
        %dma_wait3A_333 = tpu.memref_slice %arg7[%dma_wait3A_325, %dma_wait3A_332] : memref<4x128xi32, #tpu.memory_space<vmem>> -> memref<1x128xi32, #tpu.memory_space<vmem>>
        %dma_wait3A_334 = tpu.memref_squeeze %dma_wait3A_333 : memref<1x128xi32, #tpu.memory_space<vmem>> -> memref<128xi32, #tpu.memory_space<vmem>>
        %dma_wait3A_335 = arith.constant 0 : i32
        %dma_wait3A_336 = tpu.memref_slice %arg3[%add3A, %dma_wait3A_324, %dma_wait3A_335] : memref<32x88x128xi32, #tpu.memory_space<hbm>> -> memref<1x1x128xi32, #tpu.memory_space<hbm>>
        %dma_wait3A_337 = tpu.memref_squeeze %dma_wait3A_336 : memref<1x1x128xi32, #tpu.memory_space<hbm>> -> memref<128xi32, #tpu.memory_space<hbm>>
        tpu.wait_dma2 semaphore(%arg15 : memref<!tpu.dma_semaphore, #tpu.memory_space<semaphore_mem>>) src(%dma_wait3A_337 : memref<128xi32, #tpu.memory_space<hbm>>) dst(%dma_wait3A_334 : memref<128xi32, #tpu.memory_space<vmem>>)
        %dma_wait3A_338 = arith.constant 0 : i32
        %dma_wait3A_339 = arith.constant 2 : i32
        %dma_wait3A_340 = arith.constant 0 : i32
        %dma_wait3A_341 = tpu.memref_slice %arg8[%dma_wait3A_339, %dma_wait3A_340] : memref<4x128xi32, #tpu.memory_space<vmem>> -> memref<1x128xi32, #tpu.memory_space<vmem>>
        %dma_wait3A_342 = tpu.memref_squeeze %dma_wait3A_341 : memref<1x128xi32, #tpu.memory_space<vmem>> -> memref<128xi32, #tpu.memory_space<vmem>>
        %dma_wait3A_343 = arith.constant 0 : i32
        %dma_wait3A_344 = tpu.memref_slice %arg4[%add3A, %dma_wait3A_338, %dma_wait3A_343] : memref<32x88x128xi32, #tpu.memory_space<hbm>> -> memref<1x1x128xi32, #tpu.memory_space<hbm>>
        %dma_wait3A_345 = tpu.memref_squeeze %dma_wait3A_344 : memref<1x1x128xi32, #tpu.memory_space<hbm>> -> memref<128xi32, #tpu.memory_space<hbm>>
        %dma_wait3A_346 = arith.constant 0 : i32
        %dma_wait3A_347 = tpu.memref_slice %arg8[%dma_wait3A_339, %dma_wait3A_346] : memref<4x128xi32, #tpu.memory_space<vmem>> -> memref<1x128xi32, #tpu.memory_space<vmem>>
        %dma_wait3A_348 = tpu.memref_squeeze %dma_wait3A_347 : memref<1x128xi32, #tpu.memory_space<vmem>> -> memref<128xi32, #tpu.memory_space<vmem>>
        %dma_wait3A_349 = arith.constant 0 : i32
        %dma_wait3A_350 = tpu.memref_slice %arg4[%add3A, %dma_wait3A_338, %dma_wait3A_349] : memref<32x88x128xi32, #tpu.memory_space<hbm>> -> memref<1x1x128xi32, #tpu.memory_space<hbm>>
        %dma_wait3A_351 = tpu.memref_squeeze %dma_wait3A_350 : memref<1x1x128xi32, #tpu.memory_space<hbm>> -> memref<128xi32, #tpu.memory_space<hbm>>
        tpu.wait_dma2 semaphore(%arg15 : memref<!tpu.dma_semaphore, #tpu.memory_space<semaphore_mem>>) src(%dma_wait3A_351 : memref<128xi32, #tpu.memory_space<hbm>>) dst(%dma_wait3A_348 : memref<128xi32, #tpu.memory_space<vmem>>)
        %dma_start3A_352 = arith.constant 2 : i32
        %dma_start3A_353 = arith.constant 0 : i32
        %dma_start3A_354 = arith.constant 0 : i32
        %dma_start3A_355 = arith.constant 0 : i32
        %dma_start3A_356 = tpu.memref_slice %arg9[%dma_start3A_353, %dma_start3A_354, %dma_start3A_355] : memref<2x128x128xf32, #tpu.memory_space<vmem>> -> memref<1x128x128xf32, #tpu.memory_space<vmem>>
        %dma_start3A_357 = tpu.memref_squeeze %dma_start3A_356 : memref<1x128x128xf32, #tpu.memory_space<vmem>> -> memref<128x128xf32, #tpu.memory_space<vmem>>
        %dma_start3A_358 = arith.constant 0 : i32
        %dma_start3A_359 = tpu.memref_slice %arg7[%dma_start3A_352, %dma_start3A_358] : memref<4x128xi32, #tpu.memory_space<vmem>> -> memref<1x128xi32, #tpu.memory_space<vmem>>
        %dma_start3A_360 = tpu.memref_squeeze %dma_start3A_359 : memref<1x128xi32, #tpu.memory_space<vmem>> -> memref<128xi32, #tpu.memory_space<vmem>>
        %dma_start3A_361 = arith.constant 0 : i32
        %dma_start3A_362 = arith.constant 0 : i32
        %dma_start3A_363 = tpu.memref_slice %arg2[%dma_start3A_361, %dma_start3A_362] : memref<10000x128xf32, #tpu.memory_space<hbm>> -> memref<10000x128xf32, #tpu.memory_space<hbm>>
        tpu.enqueue_indirect_dma source(%dma_start3A_363 : memref<10000x128xf32, #tpu.memory_space<hbm>>) target(%dma_start3A_357 : memref<128x128xf32, #tpu.memory_space<vmem>>) offsets(%dma_start3A_360 : memref<128xi32, #tpu.memory_space<vmem>>) semaphore(%arg11 : memref<!tpu.dma_semaphore, #tpu.memory_space<semaphore_mem>>)
      } else {
      }
      %mul3A_228 = arith.constant 4 : i32
      %mul3A_229 = arith.muli %scan3A_199, %mul3A_228 : i32
      %add3A_230 = arith.constant 1 : i32
      %add3A_231 = arith.addi %mul3A_229, %add3A_230 : i32
      %dma_wait3A_232 = arith.constant 0 : i32
      %dma_wait3A_233 = arith.constant 1 : i32
      %dma_wait3A_234 = arith.constant 0 : i32
      %dma_wait3A_235 = arith.constant 0 : i32
      %dma_wait3A_236 = tpu.memref_slice %arg9[%dma_wait3A_233, %dma_wait3A_234, %dma_wait3A_235] : memref<2x128x128xf32, #tpu.memory_space<vmem>> -> memref<1x128x128xf32, #tpu.memory_space<vmem>>
      %dma_wait3A_237 = tpu.memref_squeeze %dma_wait3A_236 : memref<1x128x128xf32, #tpu.memory_space<vmem>> -> memref<128x128xf32, #tpu.memory_space<vmem>>
      %dma_wait3A_238 = arith.constant 0 : i32
      %dma_wait3A_239 = tpu.memref_slice %arg7[%dma_wait3A_232, %dma_wait3A_238] : memref<4x128xi32, #tpu.memory_space<vmem>> -> memref<1x128xi32, #tpu.memory_space<vmem>>
      %dma_wait3A_240 = tpu.memref_squeeze %dma_wait3A_239 : memref<1x128xi32, #tpu.memory_space<vmem>> -> memref<128xi32, #tpu.memory_space<vmem>>
      %dma_wait3A_241 = arith.constant 0 : i32
      %dma_wait3A_242 = arith.constant 0 : i32
      %dma_wait3A_243 = tpu.memref_slice %arg2[%dma_wait3A_241, %dma_wait3A_242] : memref<10000x128xf32, #tpu.memory_space<hbm>> -> memref<10000x128xf32, #tpu.memory_space<hbm>>
      tpu.wait_indirect_dma semaphore(%arg12 : memref<!tpu.dma_semaphore, #tpu.memory_space<semaphore_mem>>) src(%dma_wait3A_243 : memref<10000x128xf32, #tpu.memory_space<hbm>>) dst(%dma_wait3A_237 : memref<128x128xf32, #tpu.memory_space<vmem>>)
      %run_scoped3A_244 = arith.constant 1 : i32
      %run_scoped3A_245 = arith.constant 1 : i32
      "tpu.region"() ({
        %run_scoped3A_324 = tpu.sem_alloc : memref<!tpu.dma_semaphore, #tpu.memory_space<semaphore_mem>>
        %dma_start3A_325 = arith.constant 0 : i32
        %dma_start3A_326 = arith.constant 0 : i32
        %dma_start3A_327 = tpu.memref_slice %arg9[%run_scoped3A_244, %dma_start3A_325, %dma_start3A_326] : memref<2x128x128xf32, #tpu.memory_space<vmem>> -> memref<1x128x128xf32, #tpu.memory_space<vmem>>
        %dma_start3A_328 = tpu.memref_squeeze %dma_start3A_327 : memref<1x128x128xf32, #tpu.memory_space<vmem>> -> memref<128x128xf32, #tpu.memory_space<vmem>>
        %dma_start3A_329 = arith.constant 0 : i32
        %dma_start3A_330 = tpu.memref_slice %arg8[%run_scoped3A_245, %dma_start3A_329] : memref<4x128xi32, #tpu.memory_space<vmem>> -> memref<1x128xi32, #tpu.memory_space<vmem>>
        %dma_start3A_331 = tpu.memref_squeeze %dma_start3A_330 : memref<1x128xi32, #tpu.memory_space<vmem>> -> memref<128xi32, #tpu.memory_space<vmem>>
        %dma_start3A_332 = arith.constant 0 : i32
        %dma_start3A_333 = arith.constant 0 : i32
        %dma_start3A_334 = tpu.memref_slice %arg10[%dma_start3A_332, %dma_start3A_333] : memref<10128x128xf32, #tpu.memory_space<vmem_shared>> -> memref<10128x128xf32, #tpu.memory_space<vmem_shared>>
        tpu.enqueue_indirect_dma source(%dma_start3A_328 : memref<128x128xf32, #tpu.memory_space<vmem>>) target(%dma_start3A_334 : memref<10128x128xf32, #tpu.memory_space<vmem_shared>>) offsets(%dma_start3A_331 : memref<128xi32, #tpu.memory_space<vmem>>) semaphore(%run_scoped3A_324 : memref<!tpu.dma_semaphore, #tpu.memory_space<semaphore_mem>>) {add = true}
        %dma_wait3A_335 = arith.constant 0 : i32
        %dma_wait3A_336 = arith.constant 0 : i32
        %dma_wait3A_337 = tpu.memref_slice %arg9[%run_scoped3A_244, %dma_wait3A_335, %dma_wait3A_336] : memref<2x128x128xf32, #tpu.memory_space<vmem>> -> memref<1x128x128xf32, #tpu.memory_space<vmem>>
        %dma_wait3A_338 = tpu.memref_squeeze %dma_wait3A_337 : memref<1x128x128xf32, #tpu.memory_space<vmem>> -> memref<128x128xf32, #tpu.memory_space<vmem>>
        %dma_wait3A_339 = arith.constant 0 : i32
        %dma_wait3A_340 = tpu.memref_slice %arg8[%run_scoped3A_245, %dma_wait3A_339] : memref<4x128xi32, #tpu.memory_space<vmem>> -> memref<1x128xi32, #tpu.memory_space<vmem>>
        %dma_wait3A_341 = tpu.memref_squeeze %dma_wait3A_340 : memref<1x128xi32, #tpu.memory_space<vmem>> -> memref<128xi32, #tpu.memory_space<vmem>>
        %dma_wait3A_342 = arith.constant 0 : i32
        %dma_wait3A_343 = arith.constant 0 : i32
        %dma_wait3A_344 = tpu.memref_slice %arg10[%dma_wait3A_342, %dma_wait3A_343] : memref<10128x128xf32, #tpu.memory_space<vmem_shared>> -> memref<10128x128xf32, #tpu.memory_space<vmem_shared>>
        tpu.wait_indirect_dma semaphore(%run_scoped3A_324 : memref<!tpu.dma_semaphore, #tpu.memory_space<semaphore_mem>>) src(%dma_wait3A_338 : memref<128x128xf32, #tpu.memory_space<vmem>>) dst(%dma_wait3A_344 : memref<10128x128xf32, #tpu.memory_space<vmem_shared>>)
        tpu.yield
      }) : () -> ()
      %add3A_246 = arith.constant 4 : i32
      %add3A_247 = arith.addi %add3A_231, %add3A_246 : i32
      %lt3A_248 = arith.constant 88 : i32
      %lt3A_249 = arith.cmpi slt, %add3A_247, %lt3A_248 : i32
      %convert_element_type3A_250 = arith.extui %lt3A_249 : i1 to i32
      %cond3A_251 = arith.constant 0 : i32
      %cond3A_252 = arith.cmpi ne, %convert_element_type3A_250, %cond3A_251 : i32
      scf.if %cond3A_252 {
        %add3A_324 = arith.constant 4 : i32
        %add3A_325 = arith.addi %add3A_231, %add3A_324 : i32
        %dma_start3A_326 = arith.constant 1 : i32
        %dma_start3A_327 = arith.constant 0 : i32
        %dma_start3A_328 = tpu.memref_slice %arg7[%dma_start3A_326, %dma_start3A_327] : memref<4x128xi32, #tpu.memory_space<vmem>> -> memref<1x128xi32, #tpu.memory_space<vmem>>
        %dma_start3A_329 = tpu.memref_squeeze %dma_start3A_328 : memref<1x128xi32, #tpu.memory_space<vmem>> -> memref<128xi32, #tpu.memory_space<vmem>>
        %dma_start3A_330 = arith.constant 0 : i32
        %dma_start3A_331 = tpu.memref_slice %arg3[%add3A, %add3A_325, %dma_start3A_330] : memref<32x88x128xi32, #tpu.memory_space<hbm>> -> memref<1x1x128xi32, #tpu.memory_space<hbm>>
        %dma_start3A_332 = tpu.memref_squeeze %dma_start3A_331 : memref<1x1x128xi32, #tpu.memory_space<hbm>> -> memref<128xi32, #tpu.memory_space<hbm>>
        %dma_start3A_333 = arith.constant 0 : i32
        %dma_start3A_334 = tpu.memref_slice %arg7[%dma_start3A_326, %dma_start3A_333] : memref<4x128xi32, #tpu.memory_space<vmem>> -> memref<1x128xi32, #tpu.memory_space<vmem>>
        %dma_start3A_335 = tpu.memref_squeeze %dma_start3A_334 : memref<1x128xi32, #tpu.memory_space<vmem>> -> memref<128xi32, #tpu.memory_space<vmem>>
        %dma_start3A_336 = arith.constant 0 : i32
        %dma_start3A_337 = tpu.memref_slice %arg3[%add3A, %add3A_325, %dma_start3A_336] : memref<32x88x128xi32, #tpu.memory_space<hbm>> -> memref<1x1x128xi32, #tpu.memory_space<hbm>>
        %dma_start3A_338 = tpu.memref_squeeze %dma_start3A_337 : memref<1x1x128xi32, #tpu.memory_space<hbm>> -> memref<128xi32, #tpu.memory_space<hbm>>
        tpu.enqueue_dma source(%dma_start3A_338 : memref<128xi32, #tpu.memory_space<hbm>>) target(%dma_start3A_335 : memref<128xi32, #tpu.memory_space<vmem>>) target_semaphore(%arg14 : memref<!tpu.dma_semaphore, #tpu.memory_space<semaphore_mem>>)
        %dma_start3A_339 = arith.constant 1 : i32
        %dma_start3A_340 = arith.constant 0 : i32
        %dma_start3A_341 = tpu.memref_slice %arg8[%dma_start3A_339, %dma_start3A_340] : memref<4x128xi32, #tpu.memory_space<vmem>> -> memref<1x128xi32, #tpu.memory_space<vmem>>
        %dma_start3A_342 = tpu.memref_squeeze %dma_start3A_341 : memref<1x128xi32, #tpu.memory_space<vmem>> -> memref<128xi32, #tpu.memory_space<vmem>>
        %dma_start3A_343 = arith.constant 0 : i32
        %dma_start3A_344 = tpu.memref_slice %arg4[%add3A, %add3A_325, %dma_start3A_343] : memref<32x88x128xi32, #tpu.memory_space<hbm>> -> memref<1x1x128xi32, #tpu.memory_space<hbm>>
        %dma_start3A_345 = tpu.memref_squeeze %dma_start3A_344 : memref<1x1x128xi32, #tpu.memory_space<hbm>> -> memref<128xi32, #tpu.memory_space<hbm>>
        %dma_start3A_346 = arith.constant 0 : i32
        %dma_start3A_347 = tpu.memref_slice %arg8[%dma_start3A_339, %dma_start3A_346] : memref<4x128xi32, #tpu.memory_space<vmem>> -> memref<1x128xi32, #tpu.memory_space<vmem>>
        %dma_start3A_348 = tpu.memref_squeeze %dma_start3A_347 : memref<1x128xi32, #tpu.memory_space<vmem>> -> memref<128xi32, #tpu.memory_space<vmem>>
        %dma_start3A_349 = arith.constant 0 : i32
        %dma_start3A_350 = tpu.memref_slice %arg4[%add3A, %add3A_325, %dma_start3A_349] : memref<32x88x128xi32, #tpu.memory_space<hbm>> -> memref<1x1x128xi32, #tpu.memory_space<hbm>>
        %dma_start3A_351 = tpu.memref_squeeze %dma_start3A_350 : memref<1x1x128xi32, #tpu.memory_space<hbm>> -> memref<128xi32, #tpu.memory_space<hbm>>
        tpu.enqueue_dma source(%dma_start3A_351 : memref<128xi32, #tpu.memory_space<hbm>>) target(%dma_start3A_348 : memref<128xi32, #tpu.memory_space<vmem>>) target_semaphore(%arg14 : memref<!tpu.dma_semaphore, #tpu.memory_space<semaphore_mem>>)
      } else {
      }
      %add3A_253 = arith.constant 2 : i32
      %add3A_254 = arith.addi %add3A_231, %add3A_253 : i32
      %lt3A_255 = arith.constant 88 : i32
      %lt3A_256 = arith.cmpi slt, %add3A_254, %lt3A_255 : i32
      %convert_element_type3A_257 = arith.extui %lt3A_256 : i1 to i32
      %cond3A_258 = arith.constant 0 : i32
      %cond3A_259 = arith.cmpi ne, %convert_element_type3A_257, %cond3A_258 : i32
      scf.if %cond3A_259 {
        %dma_wait3A_324 = arith.constant 0 : i32
        %dma_wait3A_325 = arith.constant 3 : i32
        %dma_wait3A_326 = arith.constant 0 : i32
        %dma_wait3A_327 = tpu.memref_slice %arg7[%dma_wait3A_325, %dma_wait3A_326] : memref<4x128xi32, #tpu.memory_space<vmem>> -> memref<1x128xi32, #tpu.memory_space<vmem>>
        %dma_wait3A_328 = tpu.memref_squeeze %dma_wait3A_327 : memref<1x128xi32, #tpu.memory_space<vmem>> -> memref<128xi32, #tpu.memory_space<vmem>>
        %dma_wait3A_329 = arith.constant 0 : i32
        %dma_wait3A_330 = tpu.memref_slice %arg3[%add3A, %dma_wait3A_324, %dma_wait3A_329] : memref<32x88x128xi32, #tpu.memory_space<hbm>> -> memref<1x1x128xi32, #tpu.memory_space<hbm>>
        %dma_wait3A_331 = tpu.memref_squeeze %dma_wait3A_330 : memref<1x1x128xi32, #tpu.memory_space<hbm>> -> memref<128xi32, #tpu.memory_space<hbm>>
        %dma_wait3A_332 = arith.constant 0 : i32
        %dma_wait3A_333 = tpu.memref_slice %arg7[%dma_wait3A_325, %dma_wait3A_332] : memref<4x128xi32, #tpu.memory_space<vmem>> -> memref<1x128xi32, #tpu.memory_space<vmem>>
        %dma_wait3A_334 = tpu.memref_squeeze %dma_wait3A_333 : memref<1x128xi32, #tpu.memory_space<vmem>> -> memref<128xi32, #tpu.memory_space<vmem>>
        %dma_wait3A_335 = arith.constant 0 : i32
        %dma_wait3A_336 = tpu.memref_slice %arg3[%add3A, %dma_wait3A_324, %dma_wait3A_335] : memref<32x88x128xi32, #tpu.memory_space<hbm>> -> memref<1x1x128xi32, #tpu.memory_space<hbm>>
        %dma_wait3A_337 = tpu.memref_squeeze %dma_wait3A_336 : memref<1x1x128xi32, #tpu.memory_space<hbm>> -> memref<128xi32, #tpu.memory_space<hbm>>
        tpu.wait_dma2 semaphore(%arg16 : memref<!tpu.dma_semaphore, #tpu.memory_space<semaphore_mem>>) src(%dma_wait3A_337 : memref<128xi32, #tpu.memory_space<hbm>>) dst(%dma_wait3A_334 : memref<128xi32, #tpu.memory_space<vmem>>)
        %dma_wait3A_338 = arith.constant 0 : i32
        %dma_wait3A_339 = arith.constant 3 : i32
        %dma_wait3A_340 = arith.constant 0 : i32
        %dma_wait3A_341 = tpu.memref_slice %arg8[%dma_wait3A_339, %dma_wait3A_340] : memref<4x128xi32, #tpu.memory_space<vmem>> -> memref<1x128xi32, #tpu.memory_space<vmem>>
        %dma_wait3A_342 = tpu.memref_squeeze %dma_wait3A_341 : memref<1x128xi32, #tpu.memory_space<vmem>> -> memref<128xi32, #tpu.memory_space<vmem>>
        %dma_wait3A_343 = arith.constant 0 : i32
        %dma_wait3A_344 = tpu.memref_slice %arg4[%add3A, %dma_wait3A_338, %dma_wait3A_343] : memref<32x88x128xi32, #tpu.memory_space<hbm>> -> memref<1x1x128xi32, #tpu.memory_space<hbm>>
        %dma_wait3A_345 = tpu.memref_squeeze %dma_wait3A_344 : memref<1x1x128xi32, #tpu.memory_space<hbm>> -> memref<128xi32, #tpu.memory_space<hbm>>
        %dma_wait3A_346 = arith.constant 0 : i32
        %dma_wait3A_347 = tpu.memref_slice %arg8[%dma_wait3A_339, %dma_wait3A_346] : memref<4x128xi32, #tpu.memory_space<vmem>> -> memref<1x128xi32, #tpu.memory_space<vmem>>
        %dma_wait3A_348 = tpu.memref_squeeze %dma_wait3A_347 : memref<1x128xi32, #tpu.memory_space<vmem>> -> memref<128xi32, #tpu.memory_space<vmem>>
        %dma_wait3A_349 = arith.constant 0 : i32
        %dma_wait3A_350 = tpu.memref_slice %arg4[%add3A, %dma_wait3A_338, %dma_wait3A_349] : memref<32x88x128xi32, #tpu.memory_space<hbm>> -> memref<1x1x128xi32, #tpu.memory_space<hbm>>
        %dma_wait3A_351 = tpu.memref_squeeze %dma_wait3A_350 : memref<1x1x128xi32, #tpu.memory_space<hbm>> -> memref<128xi32, #tpu.memory_space<hbm>>
        tpu.wait_dma2 semaphore(%arg16 : memref<!tpu.dma_semaphore, #tpu.memory_space<semaphore_mem>>) src(%dma_wait3A_351 : memref<128xi32, #tpu.memory_space<hbm>>) dst(%dma_wait3A_348 : memref<128xi32, #tpu.memory_space<vmem>>)
        %dma_start3A_352 = arith.constant 3 : i32
        %dma_start3A_353 = arith.constant 1 : i32
        %dma_start3A_354 = arith.constant 0 : i32
        %dma_start3A_355 = arith.constant 0 : i32
        %dma_start3A_356 = tpu.memref_slice %arg9[%dma_start3A_353, %dma_start3A_354, %dma_start3A_355] : memref<2x128x128xf32, #tpu.memory_space<vmem>> -> memref<1x128x128xf32, #tpu.memory_space<vmem>>
        %dma_start3A_357 = tpu.memref_squeeze %dma_start3A_356 : memref<1x128x128xf32, #tpu.memory_space<vmem>> -> memref<128x128xf32, #tpu.memory_space<vmem>>
        %dma_start3A_358 = arith.constant 0 : i32
        %dma_start3A_359 = tpu.memref_slice %arg7[%dma_start3A_352, %dma_start3A_358] : memref<4x128xi32, #tpu.memory_space<vmem>> -> memref<1x128xi32, #tpu.memory_space<vmem>>
        %dma_start3A_360 = tpu.memref_squeeze %dma_start3A_359 : memref<1x128xi32, #tpu.memory_space<vmem>> -> memref<128xi32, #tpu.memory_space<vmem>>
        %dma_start3A_361 = arith.constant 0 : i32
        %dma_start3A_362 = arith.constant 0 : i32
        %dma_start3A_363 = tpu.memref_slice %arg2[%dma_start3A_361, %dma_start3A_362] : memref<10000x128xf32, #tpu.memory_space<hbm>> -> memref<10000x128xf32, #tpu.memory_space<hbm>>
        tpu.enqueue_indirect_dma source(%dma_start3A_363 : memref<10000x128xf32, #tpu.memory_space<hbm>>) target(%dma_start3A_357 : memref<128x128xf32, #tpu.memory_space<vmem>>) offsets(%dma_start3A_360 : memref<128xi32, #tpu.memory_space<vmem>>) semaphore(%arg12 : memref<!tpu.dma_semaphore, #tpu.memory_space<semaphore_mem>>)
      } else {
      }
      %mul3A_260 = arith.constant 4 : i32
      %mul3A_261 = arith.muli %scan3A_199, %mul3A_260 : i32
      %add3A_262 = arith.constant 2 : i32
      %add3A_263 = arith.addi %mul3A_261, %add3A_262 : i32
      %dma_wait3A_264 = arith.constant 0 : i32
      %dma_wait3A_265 = arith.constant 0 : i32
      %dma_wait3A_266 = arith.constant 0 : i32
      %dma_wait3A_267 = arith.constant 0 : i32
      %dma_wait3A_268 = tpu.memref_slice %arg9[%dma_wait3A_265, %dma_wait3A_266, %dma_wait3A_267] : memref<2x128x128xf32, #tpu.memory_space<vmem>> -> memref<1x128x128xf32, #tpu.memory_space<vmem>>
      %dma_wait3A_269 = tpu.memref_squeeze %dma_wait3A_268 : memref<1x128x128xf32, #tpu.memory_space<vmem>> -> memref<128x128xf32, #tpu.memory_space<vmem>>
      %dma_wait3A_270 = arith.constant 0 : i32
      %dma_wait3A_271 = tpu.memref_slice %arg7[%dma_wait3A_264, %dma_wait3A_270] : memref<4x128xi32, #tpu.memory_space<vmem>> -> memref<1x128xi32, #tpu.memory_space<vmem>>
      %dma_wait3A_272 = tpu.memref_squeeze %dma_wait3A_271 : memref<1x128xi32, #tpu.memory_space<vmem>> -> memref<128xi32, #tpu.memory_space<vmem>>
      %dma_wait3A_273 = arith.constant 0 : i32
      %dma_wait3A_274 = arith.constant 0 : i32
      %dma_wait3A_275 = tpu.memref_slice %arg2[%dma_wait3A_273, %dma_wait3A_274] : memref<10000x128xf32, #tpu.memory_space<hbm>> -> memref<10000x128xf32, #tpu.memory_space<hbm>>
      tpu.wait_indirect_dma semaphore(%arg11 : memref<!tpu.dma_semaphore, #tpu.memory_space<semaphore_mem>>) src(%dma_wait3A_275 : memref<10000x128xf32, #tpu.memory_space<hbm>>) dst(%dma_wait3A_269 : memref<128x128xf32, #tpu.memory_space<vmem>>)
      %run_scoped3A_276 = arith.constant 0 : i32
      %run_scoped3A_277 = arith.constant 2 : i32
      "tpu.region"() ({
        %run_scoped3A_324 = tpu.sem_alloc : memref<!tpu.dma_semaphore, #tpu.memory_space<semaphore_mem>>
        %dma_start3A_325 = arith.constant 0 : i32
        %dma_start3A_326 = arith.constant 0 : i32
        %dma_start3A_327 = tpu.memref_slice %arg9[%run_scoped3A_276, %dma_start3A_325, %dma_start3A_326] : memref<2x128x128xf32, #tpu.memory_space<vmem>> -> memref<1x128x128xf32, #tpu.memory_space<vmem>>
        %dma_start3A_328 = tpu.memref_squeeze %dma_start3A_327 : memref<1x128x128xf32, #tpu.memory_space<vmem>> -> memref<128x128xf32, #tpu.memory_space<vmem>>
        %dma_start3A_329 = arith.constant 0 : i32
        %dma_start3A_330 = tpu.memref_slice %arg8[%run_scoped3A_277, %dma_start3A_329] : memref<4x128xi32, #tpu.memory_space<vmem>> -> memref<1x128xi32, #tpu.memory_space<vmem>>
        %dma_start3A_331 = tpu.memref_squeeze %dma_start3A_330 : memref<1x128xi32, #tpu.memory_space<vmem>> -> memref<128xi32, #tpu.memory_space<vmem>>
        %dma_start3A_332 = arith.constant 0 : i32
        %dma_start3A_333 = arith.constant 0 : i32
        %dma_start3A_334 = tpu.memref_slice %arg10[%dma_start3A_332, %dma_start3A_333] : memref<10128x128xf32, #tpu.memory_space<vmem_shared>> -> memref<10128x128xf32, #tpu.memory_space<vmem_shared>>
        tpu.enqueue_indirect_dma source(%dma_start3A_328 : memref<128x128xf32, #tpu.memory_space<vmem>>) target(%dma_start3A_334 : memref<10128x128xf32, #tpu.memory_space<vmem_shared>>) offsets(%dma_start3A_331 : memref<128xi32, #tpu.memory_space<vmem>>) semaphore(%run_scoped3A_324 : memref<!tpu.dma_semaphore, #tpu.memory_space<semaphore_mem>>) {add = true}
        %dma_wait3A_335 = arith.constant 0 : i32
        %dma_wait3A_336 = arith.constant 0 : i32
        %dma_wait3A_337 = tpu.memref_slice %arg9[%run_scoped3A_276, %dma_wait3A_335, %dma_wait3A_336] : memref<2x128x128xf32, #tpu.memory_space<vmem>> -> memref<1x128x128xf32, #tpu.memory_space<vmem>>
        %dma_wait3A_338 = tpu.memref_squeeze %dma_wait3A_337 : memref<1x128x128xf32, #tpu.memory_space<vmem>> -> memref<128x128xf32, #tpu.memory_space<vmem>>
        %dma_wait3A_339 = arith.constant 0 : i32
        %dma_wait3A_340 = tpu.memref_slice %arg8[%run_scoped3A_277, %dma_wait3A_339] : memref<4x128xi32, #tpu.memory_space<vmem>> -> memref<1x128xi32, #tpu.memory_space<vmem>>
        %dma_wait3A_341 = tpu.memref_squeeze %dma_wait3A_340 : memref<1x128xi32, #tpu.memory_space<vmem>> -> memref<128xi32, #tpu.memory_space<vmem>>
        %dma_wait3A_342 = arith.constant 0 : i32
        %dma_wait3A_343 = arith.constant 0 : i32
        %dma_wait3A_344 = tpu.memref_slice %arg10[%dma_wait3A_342, %dma_wait3A_343] : memref<10128x128xf32, #tpu.memory_space<vmem_shared>> -> memref<10128x128xf32, #tpu.memory_space<vmem_shared>>
        tpu.wait_indirect_dma semaphore(%run_scoped3A_324 : memref<!tpu.dma_semaphore, #tpu.memory_space<semaphore_mem>>) src(%dma_wait3A_338 : memref<128x128xf32, #tpu.memory_space<vmem>>) dst(%dma_wait3A_344 : memref<10128x128xf32, #tpu.memory_space<vmem_shared>>)
        tpu.yield
      }) : () -> ()
      %add3A_278 = arith.constant 4 : i32
      %add3A_279 = arith.addi %add3A_263, %add3A_278 : i32
      %lt3A_280 = arith.constant 88 : i32
      %lt3A_281 = arith.cmpi slt, %add3A_279, %lt3A_280 : i32
      %convert_element_type3A_282 = arith.extui %lt3A_281 : i1 to i32
      %cond3A_283 = arith.constant 0 : i32
      %cond3A_284 = arith.cmpi ne, %convert_element_type3A_282, %cond3A_283 : i32
      scf.if %cond3A_284 {
        %add3A_324 = arith.constant 4 : i32
        %add3A_325 = arith.addi %add3A_263, %add3A_324 : i32
        %dma_start3A_326 = arith.constant 2 : i32
        %dma_start3A_327 = arith.constant 0 : i32
        %dma_start3A_328 = tpu.memref_slice %arg7[%dma_start3A_326, %dma_start3A_327] : memref<4x128xi32, #tpu.memory_space<vmem>> -> memref<1x128xi32, #tpu.memory_space<vmem>>
        %dma_start3A_329 = tpu.memref_squeeze %dma_start3A_328 : memref<1x128xi32, #tpu.memory_space<vmem>> -> memref<128xi32, #tpu.memory_space<vmem>>
        %dma_start3A_330 = arith.constant 0 : i32
        %dma_start3A_331 = tpu.memref_slice %arg3[%add3A, %add3A_325, %dma_start3A_330] : memref<32x88x128xi32, #tpu.memory_space<hbm>> -> memref<1x1x128xi32, #tpu.memory_space<hbm>>
        %dma_start3A_332 = tpu.memref_squeeze %dma_start3A_331 : memref<1x1x128xi32, #tpu.memory_space<hbm>> -> memref<128xi32, #tpu.memory_space<hbm>>
        %dma_start3A_333 = arith.constant 0 : i32
        %dma_start3A_334 = tpu.memref_slice %arg7[%dma_start3A_326, %dma_start3A_333] : memref<4x128xi32, #tpu.memory_space<vmem>> -> memref<1x128xi32, #tpu.memory_space<vmem>>
        %dma_start3A_335 = tpu.memref_squeeze %dma_start3A_334 : memref<1x128xi32, #tpu.memory_space<vmem>> -> memref<128xi32, #tpu.memory_space<vmem>>
        %dma_start3A_336 = arith.constant 0 : i32
        %dma_start3A_337 = tpu.memref_slice %arg3[%add3A, %add3A_325, %dma_start3A_336] : memref<32x88x128xi32, #tpu.memory_space<hbm>> -> memref<1x1x128xi32, #tpu.memory_space<hbm>>
        %dma_start3A_338 = tpu.memref_squeeze %dma_start3A_337 : memref<1x1x128xi32, #tpu.memory_space<hbm>> -> memref<128xi32, #tpu.memory_space<hbm>>
        tpu.enqueue_dma source(%dma_start3A_338 : memref<128xi32, #tpu.memory_space<hbm>>) target(%dma_start3A_335 : memref<128xi32, #tpu.memory_space<vmem>>) target_semaphore(%arg15 : memref<!tpu.dma_semaphore, #tpu.memory_space<semaphore_mem>>)
        %dma_start3A_339 = arith.constant 2 : i32
        %dma_start3A_340 = arith.constant 0 : i32
        %dma_start3A_341 = tpu.memref_slice %arg8[%dma_start3A_339, %dma_start3A_340] : memref<4x128xi32, #tpu.memory_space<vmem>> -> memref<1x128xi32, #tpu.memory_space<vmem>>
        %dma_start3A_342 = tpu.memref_squeeze %dma_start3A_341 : memref<1x128xi32, #tpu.memory_space<vmem>> -> memref<128xi32, #tpu.memory_space<vmem>>
        %dma_start3A_343 = arith.constant 0 : i32
        %dma_start3A_344 = tpu.memref_slice %arg4[%add3A, %add3A_325, %dma_start3A_343] : memref<32x88x128xi32, #tpu.memory_space<hbm>> -> memref<1x1x128xi32, #tpu.memory_space<hbm>>
        %dma_start3A_345 = tpu.memref_squeeze %dma_start3A_344 : memref<1x1x128xi32, #tpu.memory_space<hbm>> -> memref<128xi32, #tpu.memory_space<hbm>>
        %dma_start3A_346 = arith.constant 0 : i32
        %dma_start3A_347 = tpu.memref_slice %arg8[%dma_start3A_339, %dma_start3A_346] : memref<4x128xi32, #tpu.memory_space<vmem>> -> memref<1x128xi32, #tpu.memory_space<vmem>>
        %dma_start3A_348 = tpu.memref_squeeze %dma_start3A_347 : memref<1x128xi32, #tpu.memory_space<vmem>> -> memref<128xi32, #tpu.memory_space<vmem>>
        %dma_start3A_349 = arith.constant 0 : i32
        %dma_start3A_350 = tpu.memref_slice %arg4[%add3A, %add3A_325, %dma_start3A_349] : memref<32x88x128xi32, #tpu.memory_space<hbm>> -> memref<1x1x128xi32, #tpu.memory_space<hbm>>
        %dma_start3A_351 = tpu.memref_squeeze %dma_start3A_350 : memref<1x1x128xi32, #tpu.memory_space<hbm>> -> memref<128xi32, #tpu.memory_space<hbm>>
        tpu.enqueue_dma source(%dma_start3A_351 : memref<128xi32, #tpu.memory_space<hbm>>) target(%dma_start3A_348 : memref<128xi32, #tpu.memory_space<vmem>>) target_semaphore(%arg15 : memref<!tpu.dma_semaphore, #tpu.memory_space<semaphore_mem>>)
      } else {
      }
      %add3A_285 = arith.constant 2 : i32
      %add3A_286 = arith.addi %add3A_263, %add3A_285 : i32
      %lt3A_287 = arith.constant 88 : i32
      %lt3A_288 = arith.cmpi slt, %add3A_286, %lt3A_287 : i32
      %convert_element_type3A_289 = arith.extui %lt3A_288 : i1 to i32
      %cond3A_290 = arith.constant 0 : i32
      %cond3A_291 = arith.cmpi ne, %convert_element_type3A_289, %cond3A_290 : i32
      scf.if %cond3A_291 {
        %dma_wait3A_324 = arith.constant 0 : i32
        %dma_wait3A_325 = arith.constant 0 : i32
        %dma_wait3A_326 = arith.constant 0 : i32
        %dma_wait3A_327 = tpu.memref_slice %arg7[%dma_wait3A_325, %dma_wait3A_326] : memref<4x128xi32, #tpu.memory_space<vmem>> -> memref<1x128xi32, #tpu.memory_space<vmem>>
        %dma_wait3A_328 = tpu.memref_squeeze %dma_wait3A_327 : memref<1x128xi32, #tpu.memory_space<vmem>> -> memref<128xi32, #tpu.memory_space<vmem>>
        %dma_wait3A_329 = arith.constant 0 : i32
        %dma_wait3A_330 = tpu.memref_slice %arg3[%add3A, %dma_wait3A_324, %dma_wait3A_329] : memref<32x88x128xi32, #tpu.memory_space<hbm>> -> memref<1x1x128xi32, #tpu.memory_space<hbm>>
        %dma_wait3A_331 = tpu.memref_squeeze %dma_wait3A_330 : memref<1x1x128xi32, #tpu.memory_space<hbm>> -> memref<128xi32, #tpu.memory_space<hbm>>
        %dma_wait3A_332 = arith.constant 0 : i32
        %dma_wait3A_333 = tpu.memref_slice %arg7[%dma_wait3A_325, %dma_wait3A_332] : memref<4x128xi32, #tpu.memory_space<vmem>> -> memref<1x128xi32, #tpu.memory_space<vmem>>
        %dma_wait3A_334 = tpu.memref_squeeze %dma_wait3A_333 : memref<1x128xi32, #tpu.memory_space<vmem>> -> memref<128xi32, #tpu.memory_space<vmem>>
        %dma_wait3A_335 = arith.constant 0 : i32
        %dma_wait3A_336 = tpu.memref_slice %arg3[%add3A, %dma_wait3A_324, %dma_wait3A_335] : memref<32x88x128xi32, #tpu.memory_space<hbm>> -> memref<1x1x128xi32, #tpu.memory_space<hbm>>
        %dma_wait3A_337 = tpu.memref_squeeze %dma_wait3A_336 : memref<1x1x128xi32, #tpu.memory_space<hbm>> -> memref<128xi32, #tpu.memory_space<hbm>>
        tpu.wait_dma2 semaphore(%arg13 : memref<!tpu.dma_semaphore, #tpu.memory_space<semaphore_mem>>) src(%dma_wait3A_337 : memref<128xi32, #tpu.memory_space<hbm>>) dst(%dma_wait3A_334 : memref<128xi32, #tpu.memory_space<vmem>>)
        %dma_wait3A_338 = arith.constant 0 : i32
        %dma_wait3A_339 = arith.constant 0 : i32
        %dma_wait3A_340 = arith.constant 0 : i32
        %dma_wait3A_341 = tpu.memref_slice %arg8[%dma_wait3A_339, %dma_wait3A_340] : memref<4x128xi32, #tpu.memory_space<vmem>> -> memref<1x128xi32, #tpu.memory_space<vmem>>
        %dma_wait3A_342 = tpu.memref_squeeze %dma_wait3A_341 : memref<1x128xi32, #tpu.memory_space<vmem>> -> memref<128xi32, #tpu.memory_space<vmem>>
        %dma_wait3A_343 = arith.constant 0 : i32
        %dma_wait3A_344 = tpu.memref_slice %arg4[%add3A, %dma_wait3A_338, %dma_wait3A_343] : memref<32x88x128xi32, #tpu.memory_space<hbm>> -> memref<1x1x128xi32, #tpu.memory_space<hbm>>
        %dma_wait3A_345 = tpu.memref_squeeze %dma_wait3A_344 : memref<1x1x128xi32, #tpu.memory_space<hbm>> -> memref<128xi32, #tpu.memory_space<hbm>>
        %dma_wait3A_346 = arith.constant 0 : i32
        %dma_wait3A_347 = tpu.memref_slice %arg8[%dma_wait3A_339, %dma_wait3A_346] : memref<4x128xi32, #tpu.memory_space<vmem>> -> memref<1x128xi32, #tpu.memory_space<vmem>>
        %dma_wait3A_348 = tpu.memref_squeeze %dma_wait3A_347 : memref<1x128xi32, #tpu.memory_space<vmem>> -> memref<128xi32, #tpu.memory_space<vmem>>
        %dma_wait3A_349 = arith.constant 0 : i32
        %dma_wait3A_350 = tpu.memref_slice %arg4[%add3A, %dma_wait3A_338, %dma_wait3A_349] : memref<32x88x128xi32, #tpu.memory_space<hbm>> -> memref<1x1x128xi32, #tpu.memory_space<hbm>>
        %dma_wait3A_351 = tpu.memref_squeeze %dma_wait3A_350 : memref<1x1x128xi32, #tpu.memory_space<hbm>> -> memref<128xi32, #tpu.memory_space<hbm>>
        tpu.wait_dma2 semaphore(%arg13 : memref<!tpu.dma_semaphore, #tpu.memory_space<semaphore_mem>>) src(%dma_wait3A_351 : memref<128xi32, #tpu.memory_space<hbm>>) dst(%dma_wait3A_348 : memref<128xi32, #tpu.memory_space<vmem>>)
        %dma_start3A_352 = arith.constant 0 : i32
        %dma_start3A_353 = arith.constant 0 : i32
        %dma_start3A_354 = arith.constant 0 : i32
        %dma_start3A_355 = arith.constant 0 : i32
        %dma_start3A_356 = tpu.memref_slice %arg9[%dma_start3A_353, %dma_start3A_354, %dma_start3A_355] : memref<2x128x128xf32, #tpu.memory_space<vmem>> -> memref<1x128x128xf32, #tpu.memory_space<vmem>>
        %dma_start3A_357 = tpu.memref_squeeze %dma_start3A_356 : memref<1x128x128xf32, #tpu.memory_space<vmem>> -> memref<128x128xf32, #tpu.memory_space<vmem>>
        %dma_start3A_358 = arith.constant 0 : i32
        %dma_start3A_359 = tpu.memref_slice %arg7[%dma_start3A_352, %dma_start3A_358] : memref<4x128xi32, #tpu.memory_space<vmem>> -> memref<1x128xi32, #tpu.memory_space<vmem>>
        %dma_start3A_360 = tpu.memref_squeeze %dma_start3A_359 : memref<1x128xi32, #tpu.memory_space<vmem>> -> memref<128xi32, #tpu.memory_space<vmem>>
        %dma_start3A_361 = arith.constant 0 : i32
        %dma_start3A_362 = arith.constant 0 : i32
        %dma_start3A_363 = tpu.memref_slice %arg2[%dma_start3A_361, %dma_start3A_362] : memref<10000x128xf32, #tpu.memory_space<hbm>> -> memref<10000x128xf32, #tpu.memory_space<hbm>>
        tpu.enqueue_indirect_dma source(%dma_start3A_363 : memref<10000x128xf32, #tpu.memory_space<hbm>>) target(%dma_start3A_357 : memref<128x128xf32, #tpu.memory_space<vmem>>) offsets(%dma_start3A_360 : memref<128xi32, #tpu.memory_space<vmem>>) semaphore(%arg11 : memref<!tpu.dma_semaphore, #tpu.memory_space<semaphore_mem>>)
      } else {
      }
      %mul3A_292 = arith.constant 4 : i32
      %mul3A_293 = arith.muli %scan3A_199, %mul3A_292 : i32
      %add3A_294 = arith.constant 3 : i32
      %add3A_295 = arith.addi %mul3A_293, %add3A_294 : i32
      %dma_wait3A_296 = arith.constant 0 : i32
      %dma_wait3A_297 = arith.constant 1 : i32
      %dma_wait3A_298 = arith.constant 0 : i32
      %dma_wait3A_299 = arith.constant 0 : i32
      %dma_wait3A_300 = tpu.memref_slice %arg9[%dma_wait3A_297, %dma_wait3A_298, %dma_wait3A_299] : memref<2x128x128xf32, #tpu.memory_space<vmem>> -> memref<1x128x128xf32, #tpu.memory_space<vmem>>
      %dma_wait3A_301 = tpu.memref_squeeze %dma_wait3A_300 : memref<1x128x128xf32, #tpu.memory_space<vmem>> -> memref<128x128xf32, #tpu.memory_space<vmem>>
      %dma_wait3A_302 = arith.constant 0 : i32
      %dma_wait3A_303 = tpu.memref_slice %arg7[%dma_wait3A_296, %dma_wait3A_302] : memref<4x128xi32, #tpu.memory_space<vmem>> -> memref<1x128xi32, #tpu.memory_space<vmem>>
      %dma_wait3A_304 = tpu.memref_squeeze %dma_wait3A_303 : memref<1x128xi32, #tpu.memory_space<vmem>> -> memref<128xi32, #tpu.memory_space<vmem>>
      %dma_wait3A_305 = arith.constant 0 : i32
      %dma_wait3A_306 = arith.constant 0 : i32
      %dma_wait3A_307 = tpu.memref_slice %arg2[%dma_wait3A_305, %dma_wait3A_306] : memref<10000x128xf32, #tpu.memory_space<hbm>> -> memref<10000x128xf32, #tpu.memory_space<hbm>>
      tpu.wait_indirect_dma semaphore(%arg12 : memref<!tpu.dma_semaphore, #tpu.memory_space<semaphore_mem>>) src(%dma_wait3A_307 : memref<10000x128xf32, #tpu.memory_space<hbm>>) dst(%dma_wait3A_301 : memref<128x128xf32, #tpu.memory_space<vmem>>)
      %run_scoped3A_308 = arith.constant 1 : i32
      %run_scoped3A_309 = arith.constant 3 : i32
      "tpu.region"() ({
        %run_scoped3A_324 = tpu.sem_alloc : memref<!tpu.dma_semaphore, #tpu.memory_space<semaphore_mem>>
        %dma_start3A_325 = arith.constant 0 : i32
        %dma_start3A_326 = arith.constant 0 : i32
        %dma_start3A_327 = tpu.memref_slice %arg9[%run_scoped3A_308, %dma_start3A_325, %dma_start3A_326] : memref<2x128x128xf32, #tpu.memory_space<vmem>> -> memref<1x128x128xf32, #tpu.memory_space<vmem>>
        %dma_start3A_328 = tpu.memref_squeeze %dma_start3A_327 : memref<1x128x128xf32, #tpu.memory_space<vmem>> -> memref<128x128xf32, #tpu.memory_space<vmem>>
        %dma_start3A_329 = arith.constant 0 : i32
        %dma_start3A_330 = tpu.memref_slice %arg8[%run_scoped3A_309, %dma_start3A_329] : memref<4x128xi32, #tpu.memory_space<vmem>> -> memref<1x128xi32, #tpu.memory_space<vmem>>
        %dma_start3A_331 = tpu.memref_squeeze %dma_start3A_330 : memref<1x128xi32, #tpu.memory_space<vmem>> -> memref<128xi32, #tpu.memory_space<vmem>>
        %dma_start3A_332 = arith.constant 0 : i32
        %dma_start3A_333 = arith.constant 0 : i32
        %dma_start3A_334 = tpu.memref_slice %arg10[%dma_start3A_332, %dma_start3A_333] : memref<10128x128xf32, #tpu.memory_space<vmem_shared>> -> memref<10128x128xf32, #tpu.memory_space<vmem_shared>>
        tpu.enqueue_indirect_dma source(%dma_start3A_328 : memref<128x128xf32, #tpu.memory_space<vmem>>) target(%dma_start3A_334 : memref<10128x128xf32, #tpu.memory_space<vmem_shared>>) offsets(%dma_start3A_331 : memref<128xi32, #tpu.memory_space<vmem>>) semaphore(%run_scoped3A_324 : memref<!tpu.dma_semaphore, #tpu.memory_space<semaphore_mem>>) {add = true}
        %dma_wait3A_335 = arith.constant 0 : i32
        %dma_wait3A_336 = arith.constant 0 : i32
        %dma_wait3A_337 = tpu.memref_slice %arg9[%run_scoped3A_308, %dma_wait3A_335, %dma_wait3A_336] : memref<2x128x128xf32, #tpu.memory_space<vmem>> -> memref<1x128x128xf32, #tpu.memory_space<vmem>>
        %dma_wait3A_338 = tpu.memref_squeeze %dma_wait3A_337 : memref<1x128x128xf32, #tpu.memory_space<vmem>> -> memref<128x128xf32, #tpu.memory_space<vmem>>
        %dma_wait3A_339 = arith.constant 0 : i32
        %dma_wait3A_340 = tpu.memref_slice %arg8[%run_scoped3A_309, %dma_wait3A_339] : memref<4x128xi32, #tpu.memory_space<vmem>> -> memref<1x128xi32, #tpu.memory_space<vmem>>
        %dma_wait3A_341 = tpu.memref_squeeze %dma_wait3A_340 : memref<1x128xi32, #tpu.memory_space<vmem>> -> memref<128xi32, #tpu.memory_space<vmem>>
        %dma_wait3A_342 = arith.constant 0 : i32
        %dma_wait3A_343 = arith.constant 0 : i32
        %dma_wait3A_344 = tpu.memref_slice %arg10[%dma_wait3A_342, %dma_wait3A_343] : memref<10128x128xf32, #tpu.memory_space<vmem_shared>> -> memref<10128x128xf32, #tpu.memory_space<vmem_shared>>
        tpu.wait_indirect_dma semaphore(%run_scoped3A_324 : memref<!tpu.dma_semaphore, #tpu.memory_space<semaphore_mem>>) src(%dma_wait3A_338 : memref<128x128xf32, #tpu.memory_space<vmem>>) dst(%dma_wait3A_344 : memref<10128x128xf32, #tpu.memory_space<vmem_shared>>)
        tpu.yield
      }) : () -> ()
      %add3A_310 = arith.constant 4 : i32
      %add3A_311 = arith.addi %add3A_295, %add3A_310 : i32
      %lt3A_312 = arith.constant 88 : i32
      %lt3A_313 = arith.cmpi slt, %add3A_311, %lt3A_312 : i32
      %convert_element_type3A_314 = arith.extui %lt3A_313 : i1 to i32
      %cond3A_315 = arith.constant 0 : i32
      %cond3A_316 = arith.cmpi ne, %convert_element_type3A_314, %cond3A_315 : i32
      scf.if %cond3A_316 {
        %add3A_324 = arith.constant 4 : i32
        %add3A_325 = arith.addi %add3A_295, %add3A_324 : i32
        %dma_start3A_326 = arith.constant 3 : i32
        %dma_start3A_327 = arith.constant 0 : i32
        %dma_start3A_328 = tpu.memref_slice %arg7[%dma_start3A_326, %dma_start3A_327] : memref<4x128xi32, #tpu.memory_space<vmem>> -> memref<1x128xi32, #tpu.memory_space<vmem>>
        %dma_start3A_329 = tpu.memref_squeeze %dma_start3A_328 : memref<1x128xi32, #tpu.memory_space<vmem>> -> memref<128xi32, #tpu.memory_space<vmem>>
        %dma_start3A_330 = arith.constant 0 : i32
        %dma_start3A_331 = tpu.memref_slice %arg3[%add3A, %add3A_325, %dma_start3A_330] : memref<32x88x128xi32, #tpu.memory_space<hbm>> -> memref<1x1x128xi32, #tpu.memory_space<hbm>>
        %dma_start3A_332 = tpu.memref_squeeze %dma_start3A_331 : memref<1x1x128xi32, #tpu.memory_space<hbm>> -> memref<128xi32, #tpu.memory_space<hbm>>
        %dma_start3A_333 = arith.constant 0 : i32
        %dma_start3A_334 = tpu.memref_slice %arg7[%dma_start3A_326, %dma_start3A_333] : memref<4x128xi32, #tpu.memory_space<vmem>> -> memref<1x128xi32, #tpu.memory_space<vmem>>
        %dma_start3A_335 = tpu.memref_squeeze %dma_start3A_334 : memref<1x128xi32, #tpu.memory_space<vmem>> -> memref<128xi32, #tpu.memory_space<vmem>>
        %dma_start3A_336 = arith.constant 0 : i32
        %dma_start3A_337 = tpu.memref_slice %arg3[%add3A, %add3A_325, %dma_start3A_336] : memref<32x88x128xi32, #tpu.memory_space<hbm>> -> memref<1x1x128xi32, #tpu.memory_space<hbm>>
        %dma_start3A_338 = tpu.memref_squeeze %dma_start3A_337 : memref<1x1x128xi32, #tpu.memory_space<hbm>> -> memref<128xi32, #tpu.memory_space<hbm>>
        tpu.enqueue_dma source(%dma_start3A_338 : memref<128xi32, #tpu.memory_space<hbm>>) target(%dma_start3A_335 : memref<128xi32, #tpu.memory_space<vmem>>) target_semaphore(%arg16 : memref<!tpu.dma_semaphore, #tpu.memory_space<semaphore_mem>>)
        %dma_start3A_339 = arith.constant 3 : i32
        %dma_start3A_340 = arith.constant 0 : i32
        %dma_start3A_341 = tpu.memref_slice %arg8[%dma_start3A_339, %dma_start3A_340] : memref<4x128xi32, #tpu.memory_space<vmem>> -> memref<1x128xi32, #tpu.memory_space<vmem>>
        %dma_start3A_342 = tpu.memref_squeeze %dma_start3A_341 : memref<1x128xi32, #tpu.memory_space<vmem>> -> memref<128xi32, #tpu.memory_space<vmem>>
        %dma_start3A_343 = arith.constant 0 : i32
        %dma_start3A_344 = tpu.memref_slice %arg4[%add3A, %add3A_325, %dma_start3A_343] : memref<32x88x128xi32, #tpu.memory_space<hbm>> -> memref<1x1x128xi32, #tpu.memory_space<hbm>>
        %dma_start3A_345 = tpu.memref_squeeze %dma_start3A_344 : memref<1x1x128xi32, #tpu.memory_space<hbm>> -> memref<128xi32, #tpu.memory_space<hbm>>
        %dma_start3A_346 = arith.constant 0 : i32
        %dma_start3A_347 = tpu.memref_slice %arg8[%dma_start3A_339, %dma_start3A_346] : memref<4x128xi32, #tpu.memory_space<vmem>> -> memref<1x128xi32, #tpu.memory_space<vmem>>
        %dma_start3A_348 = tpu.memref_squeeze %dma_start3A_347 : memref<1x128xi32, #tpu.memory_space<vmem>> -> memref<128xi32, #tpu.memory_space<vmem>>
        %dma_start3A_349 = arith.constant 0 : i32
        %dma_start3A_350 = tpu.memref_slice %arg4[%add3A, %add3A_325, %dma_start3A_349] : memref<32x88x128xi32, #tpu.memory_space<hbm>> -> memref<1x1x128xi32, #tpu.memory_space<hbm>>
        %dma_start3A_351 = tpu.memref_squeeze %dma_start3A_350 : memref<1x1x128xi32, #tpu.memory_space<hbm>> -> memref<128xi32, #tpu.memory_space<hbm>>
        tpu.enqueue_dma source(%dma_start3A_351 : memref<128xi32, #tpu.memory_space<hbm>>) target(%dma_start3A_348 : memref<128xi32, #tpu.memory_space<vmem>>) target_semaphore(%arg16 : memref<!tpu.dma_semaphore, #tpu.memory_space<semaphore_mem>>)
      } else {
      }
      %add3A_317 = arith.constant 2 : i32
      %add3A_318 = arith.addi %add3A_295, %add3A_317 : i32
      %lt3A_319 = arith.constant 88 : i32
      %lt3A_320 = arith.cmpi slt, %add3A_318, %lt3A_319 : i32
      %convert_element_type3A_321 = arith.extui %lt3A_320 : i1 to i32
      %cond3A_322 = arith.constant 0 : i32
      %cond3A_323 = arith.cmpi ne, %convert_element_type3A_321, %cond3A_322 : i32
      scf.if %cond3A_323 {
        %dma_wait3A_324 = arith.constant 0 : i32
        %dma_wait3A_325 = arith.constant 1 : i32
        %dma_wait3A_326 = arith.constant 0 : i32
        %dma_wait3A_327 = tpu.memref_slice %arg7[%dma_wait3A_325, %dma_wait3A_326] : memref<4x128xi32, #tpu.memory_space<vmem>> -> memref<1x128xi32, #tpu.memory_space<vmem>>
        %dma_wait3A_328 = tpu.memref_squeeze %dma_wait3A_327 : memref<1x128xi32, #tpu.memory_space<vmem>> -> memref<128xi32, #tpu.memory_space<vmem>>
        %dma_wait3A_329 = arith.constant 0 : i32
        %dma_wait3A_330 = tpu.memref_slice %arg3[%add3A, %dma_wait3A_324, %dma_wait3A_329] : memref<32x88x128xi32, #tpu.memory_space<hbm>> -> memref<1x1x128xi32, #tpu.memory_space<hbm>>
        %dma_wait3A_331 = tpu.memref_squeeze %dma_wait3A_330 : memref<1x1x128xi32, #tpu.memory_space<hbm>> -> memref<128xi32, #tpu.memory_space<hbm>>
        %dma_wait3A_332 = arith.constant 0 : i32
        %dma_wait3A_333 = tpu.memref_slice %arg7[%dma_wait3A_325, %dma_wait3A_332] : memref<4x128xi32, #tpu.memory_space<vmem>> -> memref<1x128xi32, #tpu.memory_space<vmem>>
        %dma_wait3A_334 = tpu.memref_squeeze %dma_wait3A_333 : memref<1x128xi32, #tpu.memory_space<vmem>> -> memref<128xi32, #tpu.memory_space<vmem>>
        %dma_wait3A_335 = arith.constant 0 : i32
        %dma_wait3A_336 = tpu.memref_slice %arg3[%add3A, %dma_wait3A_324, %dma_wait3A_335] : memref<32x88x128xi32, #tpu.memory_space<hbm>> -> memref<1x1x128xi32, #tpu.memory_space<hbm>>
        %dma_wait3A_337 = tpu.memref_squeeze %dma_wait3A_336 : memref<1x1x128xi32, #tpu.memory_space<hbm>> -> memref<128xi32, #tpu.memory_space<hbm>>
        tpu.wait_dma2 semaphore(%arg14 : memref<!tpu.dma_semaphore, #tpu.memory_space<semaphore_mem>>) src(%dma_wait3A_337 : memref<128xi32, #tpu.memory_space<hbm>>) dst(%dma_wait3A_334 : memref<128xi32, #tpu.memory_space<vmem>>)
        %dma_wait3A_338 = arith.constant 0 : i32
        %dma_wait3A_339 = arith.constant 1 : i32
        %dma_wait3A_340 = arith.constant 0 : i32
        %dma_wait3A_341 = tpu.memref_slice %arg8[%dma_wait3A_339, %dma_wait3A_340] : memref<4x128xi32, #tpu.memory_space<vmem>> -> memref<1x128xi32, #tpu.memory_space<vmem>>
        %dma_wait3A_342 = tpu.memref_squeeze %dma_wait3A_341 : memref<1x128xi32, #tpu.memory_space<vmem>> -> memref<128xi32, #tpu.memory_space<vmem>>
        %dma_wait3A_343 = arith.constant 0 : i32
        %dma_wait3A_344 = tpu.memref_slice %arg4[%add3A, %dma_wait3A_338, %dma_wait3A_343] : memref<32x88x128xi32, #tpu.memory_space<hbm>> -> memref<1x1x128xi32, #tpu.memory_space<hbm>>
        %dma_wait3A_345 = tpu.memref_squeeze %dma_wait3A_344 : memref<1x1x128xi32, #tpu.memory_space<hbm>> -> memref<128xi32, #tpu.memory_space<hbm>>
        %dma_wait3A_346 = arith.constant 0 : i32
        %dma_wait3A_347 = tpu.memref_slice %arg8[%dma_wait3A_339, %dma_wait3A_346] : memref<4x128xi32, #tpu.memory_space<vmem>> -> memref<1x128xi32, #tpu.memory_space<vmem>>
        %dma_wait3A_348 = tpu.memref_squeeze %dma_wait3A_347 : memref<1x128xi32, #tpu.memory_space<vmem>> -> memref<128xi32, #tpu.memory_space<vmem>>
        %dma_wait3A_349 = arith.constant 0 : i32
        %dma_wait3A_350 = tpu.memref_slice %arg4[%add3A, %dma_wait3A_338, %dma_wait3A_349] : memref<32x88x128xi32, #tpu.memory_space<hbm>> -> memref<1x1x128xi32, #tpu.memory_space<hbm>>
        %dma_wait3A_351 = tpu.memref_squeeze %dma_wait3A_350 : memref<1x1x128xi32, #tpu.memory_space<hbm>> -> memref<128xi32, #tpu.memory_space<hbm>>
        tpu.wait_dma2 semaphore(%arg14 : memref<!tpu.dma_semaphore, #tpu.memory_space<semaphore_mem>>) src(%dma_wait3A_351 : memref<128xi32, #tpu.memory_space<hbm>>) dst(%dma_wait3A_348 : memref<128xi32, #tpu.memory_space<vmem>>)
        %dma_start3A_352 = arith.constant 1 : i32
        %dma_start3A_353 = arith.constant 1 : i32
        %dma_start3A_354 = arith.constant 0 : i32
        %dma_start3A_355 = arith.constant 0 : i32
        %dma_start3A_356 = tpu.memref_slice %arg9[%dma_start3A_353, %dma_start3A_354, %dma_start3A_355] : memref<2x128x128xf32, #tpu.memory_space<vmem>> -> memref<1x128x128xf32, #tpu.memory_space<vmem>>
        %dma_start3A_357 = tpu.memref_squeeze %dma_start3A_356 : memref<1x128x128xf32, #tpu.memory_space<vmem>> -> memref<128x128xf32, #tpu.memory_space<vmem>>
        %dma_start3A_358 = arith.constant 0 : i32
        %dma_start3A_359 = tpu.memref_slice %arg7[%dma_start3A_352, %dma_start3A_358] : memref<4x128xi32, #tpu.memory_space<vmem>> -> memref<1x128xi32, #tpu.memory_space<vmem>>
        %dma_start3A_360 = tpu.memref_squeeze %dma_start3A_359 : memref<1x128xi32, #tpu.memory_space<vmem>> -> memref<128xi32, #tpu.memory_space<vmem>>
        %dma_start3A_361 = arith.constant 0 : i32
        %dma_start3A_362 = arith.constant 0 : i32
        %dma_start3A_363 = tpu.memref_slice %arg2[%dma_start3A_361, %dma_start3A_362] : memref<10000x128xf32, #tpu.memory_space<hbm>> -> memref<10000x128xf32, #tpu.memory_space<hbm>>
        tpu.enqueue_indirect_dma source(%dma_start3A_363 : memref<10000x128xf32, #tpu.memory_space<hbm>>) target(%dma_start3A_357 : memref<128x128xf32, #tpu.memory_space<vmem>>) offsets(%dma_start3A_360 : memref<128xi32, #tpu.memory_space<vmem>>) semaphore(%arg12 : memref<!tpu.dma_semaphore, #tpu.memory_space<semaphore_mem>>)
      } else {
      }
    }
    %scan3A_197 = arith.constant 22 : i32
    %barrier3A_198 = arith.constant 0 : index
    tpu.barrier barrier_id(%barrier3A_198)
    "tpu.region"() ({
      %run_scoped3A = tpu.sem_alloc : memref<!tpu.dma_semaphore, #tpu.memory_space<semaphore_mem>>
      %dma_start3A_199 = arith.constant 0 : i32
      %dma_start3A_200 = tpu.memref_slice %arg6[%arg0, %mul3A_2, %dma_start3A_199] : memref<2x10112x128xf32, #tpu.memory_space<hbm>> -> memref<1x632x128xf32, #tpu.memory_space<hbm>>
      %dma_start3A_201 = tpu.memref_squeeze %dma_start3A_200 : memref<1x632x128xf32, #tpu.memory_space<hbm>> -> memref<632x128xf32, #tpu.memory_space<hbm>>
      %dma_start3A_202 = arith.constant 0 : i32
      %dma_start3A_203 = tpu.memref_slice %arg10[%mul3A_2, %dma_start3A_202] : memref<10128x128xf32, #tpu.memory_space<vmem_shared>> -> memref<632x128xf32, #tpu.memory_space<vmem_shared>>
      tpu.enqueue_dma source(%dma_start3A_203 : memref<632x128xf32, #tpu.memory_space<vmem_shared>>) target(%dma_start3A_201 : memref<632x128xf32, #tpu.memory_space<hbm>>) target_semaphore(%run_scoped3A : memref<!tpu.dma_semaphore, #tpu.memory_space<semaphore_mem>>)
      %dma_wait3A_204 = arith.constant 0 : i32
      %dma_wait3A_205 = tpu.memref_slice %arg6[%arg0, %mul3A_2, %dma_wait3A_204] : memref<2x10112x128xf32, #tpu.memory_space<hbm>> -> memref<1x632x128xf32, #tpu.memory_space<hbm>>
      %dma_wait3A_206 = tpu.memref_squeeze %dma_wait3A_205 : memref<1x632x128xf32, #tpu.memory_space<hbm>> -> memref<632x128xf32, #tpu.memory_space<hbm>>
      %dma_wait3A_207 = arith.constant 0 : i32
      %dma_wait3A_208 = tpu.memref_slice %arg10[%mul3A_2, %dma_wait3A_207] : memref<10128x128xf32, #tpu.memory_space<vmem_shared>> -> memref<632x128xf32, #tpu.memory_space<vmem_shared>>
      tpu.wait_dma2 semaphore(%run_scoped3A : memref<!tpu.dma_semaphore, #tpu.memory_space<semaphore_mem>>) src(%dma_wait3A_208 : memref<632x128xf32, #tpu.memory_space<vmem_shared>>) dst(%dma_wait3A_206 : memref<632x128xf32, #tpu.memory_space<hbm>>)
      tpu.yield
    }) : () -> ()
    return
  }
}

</mosaic_0001>

<sc_bundles>
// kernel: _sc_seg_sum.3.cloned.1.call-start
scs
__scs_entry_jumppad:
0x0: {  	(pc) =	sbr.rel $0x88, $3  }
0x1: {  	(tag) =	ssettag $0x0;
	lr =	simm.s32 $0x1  }
0x2: {  	[smem:$0x3F9D] =	sst lr;
	_ =	strace $0xD0000000  }
0x3: {  	_ = 	snop  }
0x4: {  	_ = 	snop  }
0x5: {  	_ = 	snop  }
0x6: {  	_ = 	snop  }
0x7: {  	_ = 	snop  }
__scs_overlays_trampoline_lowered:
0x8: {  	[smem:$0x3FAC] =	sst s0  }
0x9: {  	[smem:$0x3FAD] =	sst s1  }
0xa: {  	[smem:$0x3FAE] =	sst s2  }
0xb: {  	[smem:$0x3FAF] =	sst s3  }
0xc: {  	[smem:$0x3FB0] =	sst s4  }
0xd: {  	[smem:$0x3FB1] =	sst s5  }
0xe: {  	[smem:$0x3FB2] =	sst s6  }
0xf: {  	[smem:$0x3FB3] =	sst s7  }
0x10: {  	[smem:$0x3FB4] =	sst s8  }
0x11: {  	[smem:$0x3FB5] =	sst s9;
	s0 =	simm.s32 @!p0 $0x0  }
0x12: {  	s1 =	sld [smem:$0x3F9B];
	s0 =	simm.s32 @p0 $0x1  }
0x13: {  	[smem:$0x3FB6] =	sst s0;
	s0 =	simm.s32 @!p1 $0x0  }
0x14: {  	s2 =	sld [smem:$0x3F9A];
	s0 =	simm.s32 @p1 $0x1  }
0x15: {  	[smem:$0x3FB7] =	sst s0;
	s0 =	simm.s32 @!p2 $0x0  }
0x16: {  	s3 =	sld [smem:$0x3FDB];
	s0 =	simm.s32 @p2 $0x1  }
0x17: {  	s4 =	simm.s32 $0x1BF5;
	[smem:$0x3FB9] =	sst s0  }
0x18: {  	s0 =	sld [smem:$0x3F9C];
	_ =	swait.ge [sflag:s4], $0x0  }
0x19: {  	s7 =	sld [smem:$0x3F9D]  }
0x1a: {  	s8 =	sadd.s32 $0xFFFFE003, lr  }
0x1b: {  	s9 =	sadd.s32 $0xFFFFFEF7, lr;
	s5 =	simm.s32 $0xFFFFFFFF;
	p2 =	slt.u32 s8, $0xFFFFF086  }
0x1c: {  	p1 =	slt.u32 s9, $0xF7A;
	s5 =	simm.s32 @!p2 $0x0  }
0x1d: {  	s5 =	simm.s32 @p1 $0x1;
	p0 =	seq.s32 s7, s2  }
0x1e: {  	s7 =	smul.u32 @!p0 $0xF7A, s2;
	p2 =	seq.s32 @!p0 s5, $0x0  }
0x1f: {  	s9 =	smul.u32 $0xF7A, s1;
	s8 =	simm.s32 @!p0 $0x1BF5;
	p2 =	por !p2, p0  }
0x20: {  	[sflag:s8] =	ssyncset.s32 @!p0 $0xFFFFF086;
	s6 =	sadd.s32 @!p0 s3, s7;
	s7 =	simm.s32 @!p0 $0x108  }
0x21: {  	s3 =	sadd.s32 s3, s9;
	s6 =	sadd.s32 @!p0 $0x88, s6;
	s7 =	simm.s32 @p2 $0x1082  }
0x22: {  	[simem:s7], [sflag:s8] =	dma.local @!p0 [hbm:s6], $0xF7A  }
0x23: {  	s9 =	sor.u32 $0xD0000000, s2;
	s6 =	simm.s32 $0x108;
	_ =	swait.ge @!p0 [sflag:s8], $0x0  }
0x24: {  	s3 =	sadd.s32 $0x88, s3;
	s6 =	simm.s32 @!p1 $0x1082;
	[sflag:s4] =	ssyncset.s32 $0xFFFFF086  }
0x25: {  	[simem:s6], [sflag:s4] =	dma.local [hbm:s3], $0xF7A  }
0x26: {  	[smem:$0x3F9D] =	sst s1;
	(tag) =	ssettag s2;
	_ =	strace s9  }
0x27: {  	s1 =	sld [smem:$0x3FAD]  }
0x28: {  	s2 =	sld [smem:$0x3FAE]  }
0x29: {  	s4 =	sld [smem:$0x3FB0]  }
0x2a: {  	p0 =	seq.s32 s5, $0x0;
	s5 =	sld [smem:$0x3FB1]  }
0x2b: {  	s6 =	sld [smem:$0x3FB2]  }
0x2c: {  	s7 =	sld [smem:$0x3FB3]  }
0x2d: {  	s3 =	simm.s32 $0x108;
	s8 =	sld [smem:$0x3FB4]  }
0x2e: {  	s3 =	simm.s32 @!p0 $0x1082;
	s9 =	sld [smem:$0x3FB5]  }
0x2f: {  	lr =	sadd.s32 s0, s3;
	s0 =	sld [smem:$0x3FAC]  }
0x30: {  	s3 =	sld [smem:$0x3FAF]  }
0x31: {  	[smem:$0x3FB8] =	sst s10  }
0x32: {  	s10 =	sld [smem:$0x3FB6];
	_ =	sdelay $0x3  }
0x33: {  	p0 =	seq.s32 s10, $0x1;
	s10 =	sld [smem:$0x3FB8];
	_ =	sdelay $0x3  }
0x34: {  	[smem:$0x3FB8] =	sst s10  }
0x35: {  	s10 =	sld [smem:$0x3FB7];
	_ =	sdelay $0x3  }
0x36: {  	p1 =	seq.s32 s10, $0x1;
	s10 =	sld [smem:$0x3FB8];
	_ =	sdelay $0x3  }
0x37: {  	[smem:$0x3FB8] =	sst s10  }
0x38: {  	s10 =	sld [smem:$0x3FB9]  }
0x39: {  	_ = 	snop;
	(pc) =	sbr.ind lr, $3  }
0x3a: {  	_ = 	snop  }
0x3b: {  	_ = 	snop  }
0x3c: {  	p2 =	seq.s32 s10, $0x1;
	s10 =	sld [smem:$0x3FB8]  }
0x3d: {  	_ =	shalt  }
0x3e: {  	_ =	shalt  }
0x3f: {  	_ =	shalt  }
0x40: {  	_ =	shalt  }
0x41: {  	_ =	shalt  }
0x42: {  	_ =	shalt  }
0x43: {  	_ =	shalt  }
0x44: {  	_ =	shalt  }
0x45: {  	_ =	shalt  }
0x46: {  	_ =	shalt  }
0x47: {  	_ =	shalt  }
0x48: {  	_ =	shalt  }
0x49: {  	_ =	shalt  }
0x4a: {  	_ =	shalt  }
0x4b: {  	_ =	shalt  }
0x4c: {  	_ =	shalt  }
0x4d: {  	_ =	shalt  }
0x4e: {  	_ =	shalt  }
0x4f: {  	_ =	shalt  }
0x50: {  	_ =	shalt  }
0x51: {  	_ =	shalt  }
0x52: {  	_ =	shalt  }
0x53: {  	_ =	shalt  }
0x54: {  	_ =	shalt  }
0x55: {  	_ =	shalt  }
0x56: {  	_ =	shalt  }
0x57: {  	_ =	shalt  }
0x58: {  	_ =	shalt  }
0x59: {  	_ =	shalt  }
0x5a: {  	_ =	shalt  }
0x5b: {  	_ =	shalt  }
0x5c: {  	_ =	shalt  }
0x5d: {  	_ =	shalt  }
0x5e: {  	_ =	shalt  }
0x5f: {  	_ =	shalt  }
0x60: {  	_ =	shalt  }
0x61: {  	_ =	shalt  }
0x62: {  	_ =	shalt  }
0x63: {  	_ =	shalt  }
0x64: {  	_ =	shalt  }
0x65: {  	_ =	shalt  }
0x66: {  	_ =	shalt  }
0x67: {  	_ =	shalt  }
0x68: {  	_ =	shalt  }
0x69: {  	_ =	shalt  }
0x6a: {  	_ =	shalt  }
0x6b: {  	_ =	shalt  }
0x6c: {  	_ =	shalt  }
0x6d: {  	_ =	shalt  }
0x6e: {  	_ =	shalt  }
0x6f: {  	_ =	shalt  }
0x70: {  	_ =	shalt  }
0x71: {  	_ =	shalt  }
0x72: {  	_ =	shalt  }
0x73: {  	_ =	shalt  }
0x74: {  	_ =	shalt  }
0x75: {  	_ =	shalt  }
0x76: {  	_ =	shalt  }
0x77: {  	_ =	shalt  }
0x78: {  	_ =	shalt  }
0x79: {  	_ =	shalt  }
0x7a: {  	_ =	shalt  }
0x7b: {  	_ =	shalt  }
0x7c: {  	_ =	shalt  }
0x7d: {  	_ =	shalt  }
0x7e: {  	_ =	shalt  }
0x7f: {  	_ =	shalt  }
0x80: {  	_ =	shalt  }
0x81: {  	_ =	shalt  }
0x82: {  	_ =	shalt  }
0x83: {  	_ =	shalt  }
0x84: {  	_ =	shalt  }
0x85: {  	_ =	shalt  }
0x86: {  	_ =	shalt  }
0x87: {  	_ =	shalt  }
.Lfunc_end0:
.L_simem_size_0:
called_computation_lowered:
.L_overlay_start_0:
0x88: {  	s2 =	sld [smem:$0x3FD9]  }
0x89: {  	s3 =	sld [smem:$0x3FFE];
	_ =	sdelay $0x1  }
0x8a: {  	s1 =	srdreg.scid  }
0x8b: {  	s0 =	sand.u32 $0x1, s1  }
0x8c: {  	s18 =	sshll.u32 s0, $0xA;
	s2 =	sadd.s32 s3, s2  }
0x8d: {  	s2 =	sadd.s32 s2, s18  }
0x8e: {  	[smem:$0x3FC4] =	sst s2  }
0x8f: {  	_ = 	snop  }
0x90: {  	s2 =	sld [smem:$0x3FC9]  }
0x91: {  	s19 =	sld [smem:$0x3FC8]  }
0x92: {  	s4 =	sld [smem:$0x3FC7]  }
0x93: {  	s5 =	sld [smem:$0x3FC6]  }
0x94: {  	s6 =	sld [smem:$0x3FD0];
	(tm) =	ssettm $0x1  }
0x95: {  	s7 =	sld [smem:$0x3FFB];
	_ =	sdelay $0x3  }
0x96: {  	_ =	strace s7  }
0x97: {  	s7 =	sld [smem:$0x3FFC];
	_ =	sdelay $0x3  }
0x98: {  	_ =	strace s7  }
0x99: {  	s7 =	sld [smem:$0x3FFD];
	_ =	sdelay $0x3  }
0x9a: {  	_ =	strace s7  }
0x9b: {  	_ =	strace $0x8FFFFFFF  }
0x9c: {  	s20 =	sld [smem:$0x3FDB];
	_ =	sdelay $0x1  }
0x9d: {  	s8 =	simm.s32 $_scs_section_size  }
0x9e: {  	s9 =	simm.s32 $_size__tile_overlayer_lowered;
	s10 =	simm.s32 $_tile_overlayer_lowered  }
0x9f: {  	s23 =	simm.s32 $0x1BFF;
	s22 =	sshll.u32 s10, $0x1;
	s7 =	sadd.s32 s8, s20  }
0xa0: {  	s11 =	simm.s32 $0x0;
	s21 =	sshll.u32 s9, $0x1;
	s9 =	sadd.s32 s22, s7  }
0xa1: {  	[timem:s11], [sflag:s23] =	dma.local [hbm:s9], s21  }
0xa2: {  	_ =	swait.ge [sflag:s23], s21  }
0xa3: {  	s8 =	ssub.s32 $0x0, s21;
	[sflag:s23] =	ssyncset.done $0x0  }
0xa4: {  	[sflag:s23] =	ssyncadd.s32 s8;
	_ =	sdelay $0x1  }
0xa5: {  	s24 =	simm.s32 $0x1B8B  }
0xa6: {  	_ =	swait.ge [sflag:s24], $0x1  }
0xa7: {  	[sflag:s24] =	ssyncset.done $0x0  }
0xa8: {  	s25 =	simm.s32 $0x1B8E;
	[sflag:s24] =	ssyncadd.s32 $0xFFFFFFFF  }
0xa9: {  	s26 =	simm.s32 $execute0_lowered;
	[smem:$0x3FD2] =	sst s25  }
0xaa: {  	s8 =	sshll.u32 s26, $0x1;
	_ =	strace $0x80000046;
	[dreg:$0x1] =	wrdreg $0xFFFFFFFF  }
0xab: {  	s28 =	simm.s32 $_size_execute0_lowered;
	s7 =	sadd.s32 s7, s8;
	[dreg:$0x0] =	wrdreg $0x0  }
0xac: {  	s8 =	sshll.u32 s28, $0x1;
	[dreg:$0x2] =	wrdreg s7  }
0xad: {  	[dreg:$0x3] =	wrdreg s8  }
0xae: {  	[dreg:$0x4] =	wrdreg $0xC0  }
0xaf: {  	_ =	task [dreg:s11], $0x5FFFF  }
0xb0: {  	[dreg:$0x1] =	wrdreg $0xFFFFFFFF  }
0xb1: {  	[dreg:$0x0] =	wrdreg $0x60  }
0xb2: {  	[dreg:$0x2] =	wrdreg s2  }
0xb3: {  	[dreg:$0x3] =	wrdreg s19  }
0xb4: {  	[dreg:$0x4] =	wrdreg s4  }
0xb5: {  	[dreg:$0x5] =	wrdreg s5  }
0xb6: {  	[dreg:$0x6] =	wrdreg s6  }
0xb7: {  	[dreg:$0x7] =	wrdreg $0x84000  }
0xb8: {  	[dreg:$0x8] =	wrdreg $0x9  }
0xb9: {  	_ =	task.clear_ibuf [dreg:s11], $0x9FFFF;
	_ =	strace $0x90000046  }
0xba: {  	s29 =	simm.s32 $0x9;
	_ =	strace $0x80000048  }
0xbb: {  	_ =	swait.ge [sflag:s29], $0x1  }
0xbc: {  	[sflag:s29] =	ssyncadd.s32 $0xFFFFFFFF  }
0xbd: {  	_ =	strace $0x90000048  }
0xbe: {  	_ =	sfence  }
0xbf: {  	s30 =	sld [smem:$0x0];
	_ =	sdelay $0x2  }
0xc0: {  	s31 =	sshll.u32 s1, $0xD;
	s1 =	sshrl.u32 s1, $0x2  }
0xc1: {  	s3 =	sand.u32 $0x4000, s31;
	s1 =	sadd.s32 s1, s30  }
0xc2: {  	s0 =	sor.u32 s3, s0;
	s1 =	sshll.u32 s1, $0x11  }
0xc3: {  	s0 =	sor.u32 s1, s0  }
0xc4: {  	s0 =	sadd.s32 $0x8F2B, s0  }
0xc5: {  	[sflag:s0] =	ssyncadd.remote.s32 $0x1  }
0xc6: {  	_ =	sfence.sel $0xFFFF  }
0xc7: {  	[dreg:$0x0] =	wrdreg $0xFFFFFFFF;
	(pc) =	sbr.abs _section_cstart, $3  }
0xc8: {  	[dreg:$0x1] =	wrdreg $0xFFFFFFFF  }
0xc9: {  	_ =	task.clear_ibuf [dreg:s11], $0x2FFFF;
	_ =	strace $0x9FFFFFFF  }
0xca: {  	(tm) =	ssettm $0x7FFFFFFF  }
0xcb: {  	_ =	shalt  }
tec
execute0_lowered:
.L_overlay_start_1:
0x0: {  	(tag) =	ssettag $0x1  }
0x1: {  	s1 =	rddreg [dreg:$0x0]  }
0x2: {  	s2 =	rddreg [dreg:$0x1]  }
0x3: {  	s3 =	rddreg [dreg:$0x2]  }
0x4: {  	s0 =	rddreg [dreg:$0x3]  }
0x5: {  	s5 =	rddreg [dreg:$0x4]  }
0x6: {  	s4 =	rddreg [dreg:$0x5]  }
0x7: {  	s6 =	simm.s32 $0x0;
	s7 =	srdreg.scid;
	s14 =	stileid.u32  }
0x8: {  	s28 =	simm.s32 $0x180;
	s29 =	simm.s32 $0x3;
	s30 =	simm.s32 $0x400  }
0x9: {  	s31 =	simm.s32 $0x4;
	[smem:$0x7FF] =	sst s6;
	s26 =	smul.u32 $0x4F000, s14  }
0xa: {  	s8 =	sand.u32 $0x1, s7;
	s9 =	sshll.u32 s14, $0x1;
	s11 =	smul.u32 $0x13C00, s14  }
0xb: {  	s15 =	sshll.u32 s14, $0x6;
	s10 =	ssub.s32 $0x2, s8;
	s9 =	sor.u32 s8, s9  }
0xc: {  	_ =	strace $0x80000047;
	s8 =	smul.u32 $0x13C000, s8;
	s12 =	sshrl.u32 s10, $0x1  }
0xd: {  	s13 =	sshrl.u32 s26, $0x2;
	s7 =	smul.u32 $0x2C00, s9;
	s9 =	sor.u32 $0x1C07, s15  }
0xe: {  	s10 =	ssub.s32 s10, s12;
	s12 =	sadd.s32 s13, s4;
	s13 =	sshrl.u32 s11, $0x3  }
0xf: {  	s8 =	sadd.s32 s11, s8;
	s11 =	simm.s32 $0x6;
	s16 =	sshrl.u32 s7, $0x3  }
0x10: {  	s0 =	sadd.s32 s0, s13;
	s25 =	sshrl.u32 s8, $0x3;
	s8 =	simm.s32 $0x5  }
0x11: {  	s13 =	simm.s32 $0x0;
	[dreg:$0x7] =	wrdreg s0;
	s17 =	sadd.s32 s2, s16  }
0x12: {  	s18 =	sadd.s32 s3, s16;
	s19 =	sor.u32 $0x10, s16;
	[dreg:$0x8] =	wrdreg s17  }
0x13: {  	s21 =	sor.u32 $0x20, s16;
	[dreg:$0x9] =	wrdreg s18;
	s20 =	sadd.s32 s2, s19  }
0x14: {  	s23 =	sor.u32 $0x30, s16;
	s0 =	sadd.s32 s3, s19;
	[dreg:$0xa] =	wrdreg s20  }
0x15: {  	s22 =	sadd.s32 s2, s21;
	s24 =	sadd.s32 s2, s23;
	[dreg:$0xb] =	wrdreg s0  }
0x16: {  	s26 =	sadd.s32 s3, s23;
	s19 =	smax.u32 s10, $0x1;
	[dreg:$0xc] =	wrdreg s22  }
0x17: {  	s23 =	simm.s32 $0x80;
	s10 =	simm.s32 $0x2;
	[dreg:$0xe] =	wrdreg s24  }
.Ltmp0:
0x18: {  	s0 =	sadd.s32 s3, s21;
	[dreg:$0xf] =	wrdreg s26;
	(pc) =	sbr.rel .LBB2_1-.Ltmp0, $4  }
0x19: {  	s20 =	sshrl.u32 s12, $0x3;
	s21 =	simm.s32 $0x7;
	s22 =	simm.s32 $0x200  }
0x1a: {  	s24 =	simm.s32 $0x280;
	s26 =	simm.s32 $0x300;
	s12 =	simm.s32 $0x380  }
0x1b: {  	[dreg:$0xd] =	wrdreg s0;
	s0 =	sadd.s32 s5, s25;
	s25 =	simm.s32 $0x100  }
0x1c: {  	s5 =	simm.s32 $0x1;
	[dreg:$0x10] =	wrdreg s0;
	s0 =	simm.s32 $0x4400  }
.LBB2_4:
0x1d: {  	_ =	swait.ge [sflag:s10], $0x4000  }
0x1e: {  	[sflag:s10] =	ssyncset.done $0x0  }
0x1f: {  	[sflag:s10] =	ssyncadd.s32 $0xFFFFC000  }
0x20: {  	[spmem:s4] =	stream.indirect.scatter.add.f32 [tilespmem:s0], [sflag:$0x7], $0x80, s12, s23, $0xb8;
	[tilespmem:$0x1C080] =	vst v63  }
0x21: {  	_ =	swait.ge [sflag:s21], $0x4000  }
0x22: {  	[sflag:s21] =	ssyncset.done $0x0  }
0x23: {  	s13 =	sadd.s32 $0x1, s13;
	[sflag:s21] =	ssyncadd.s32 $0xFFFFC000  }
0x24: {  	p0 =	sne.s32 s13, s19;
	[bflag:$0x0] =	sbarrier.arrive $0xFFFF  }
.Ltmp1:
0x25: {  	s14 =	rddreg [dreg:$0x10];
	(pc) =	sbr.rel @!p0 .LBB2_5-.Ltmp1, $4  }
0x26: {  	[hbm:s14], [sflag:s9] =	dma.local [spmem:s20], $0x2780  }
0x27: {  	_ =	swait.ge [sflag:s21], $0x2780  }
0x28: {  	[sflag:s21] =	ssyncset.done $0x0  }
0x29: {  	[sflag:s21] =	ssyncadd.s32 $0xFFFFD880  }
.LBB2_1:
0x2a: {  	s14 =	rddreg [dreg:$0x7]  }
0x2b: {  	[spmem:s20], [sflag:s9] =	dma.local [hbm:s14], $0x2780  }
0x2c: {  	_ =	swait.ge [sflag:s21], $0x2780  }
0x2d: {  	[sflag:s21] =	ssyncset.done $0x0  }
0x2e: {  	s15 =	rddreg [dreg:$0x8];
	[sflag:s21] =	ssyncadd.s32 $0xFFFFD880  }
0x2f: {  	[tilespmem:s6], [sflag:$0x3] =	stream.linear.gather [hbm4b:s15+s6], $0x80, $0x38;
	[tilespmem:$0x1C080] =	vst v63  }
0x30: {  	s16 =	rddreg [dreg:$0x9]  }
0x31: {  	[tilespmem:s22], [sflag:$0x3] =	stream.linear.gather [hbm4b:s16+s6], $0x80, $0x38;
	[tilespmem:$0x1C080] =	vst v63  }
0x32: {  	s17 =	rddreg [dreg:$0xa]  }
0x33: {  	[tilespmem:s23], [sflag:$0x4] =	stream.linear.gather [hbm4b:s17+s6], $0x80, $0x38;
	[tilespmem:$0x1C080] =	vst v63  }
0x34: {  	s18 =	rddreg [dreg:$0xb]  }
0x35: {  	[tilespmem:s24], [sflag:$0x4] =	stream.linear.gather [hbm4b:s18+s6], $0x80, $0x38;
	[tilespmem:$0x1C080] =	vst v63  }
0x36: {  	s15 =	rddreg [dreg:$0xc]  }
0x37: {  	[tilespmem:s25], [sflag:$0x5] =	stream.linear.gather [hbm4b:s15+s6], $0x80, $0x38;
	[tilespmem:$0x1C080] =	vst v63  }
0x38: {  	s16 =	rddreg [dreg:$0xd]  }
0x39: {  	[tilespmem:s26], [sflag:$0x5] =	stream.linear.gather [hbm4b:s16+s6], $0x80, $0x38;
	[tilespmem:$0x1C080] =	vst v63  }
0x3a: {  	s17 =	rddreg [dreg:$0xe]  }
0x3b: {  	[tilespmem:s28], [sflag:$0x6] =	stream.linear.gather [hbm4b:s17+s6], $0x80, $0x38;
	[tilespmem:$0x1C080] =	vst v63  }
0x3c: {  	s18 =	rddreg [dreg:$0xf]  }
0x3d: {  	[tilespmem:s12], [sflag:$0x6] =	stream.linear.gather [hbm4b:s18+s6], $0x80, $0x38;
	[tilespmem:$0x1C080] =	vst v63  }
0x3e: {  	[bflag:$0x0] =	sbarrier.arrive $0xFFFF  }
0x3f: {  	_ =	swait.ge [sflag:s29], $0x80  }
0x40: {  	[sflag:s29] =	ssyncset.done $0x0  }
0x41: {  	[sflag:s29] =	ssyncadd.s32 $0xFFFFFF80  }
0x42: {  	_ =	swait.ge [sflag:s29], $0x80  }
0x43: {  	[sflag:s29] =	ssyncset.done $0x0  }
0x44: {  	[sflag:s29] =	ssyncadd.s32 $0xFFFFFF80  }
0x45: {  	[tilespmem:s30], [sflag:$0x1] =	stream.indirect.gather [hbm4b:s1+s23], $0x80, s6, s23, $0xb8;
	[tilespmem:$0x1C080] =	vst v63  }
0x46: {  	_ =	swait.ge [sflag:s31], $0x80  }
0x47: {  	[sflag:s31] =	ssyncset.done $0x0  }
0x48: {  	[sflag:s31] =	ssyncadd.s32 $0xFFFFFF80  }
0x49: {  	_ =	swait.ge [sflag:s31], $0x80  }
0x4a: {  	[sflag:s31] =	ssyncset.done $0x0  }
0x4b: {  	s14 =	simm.s32 $0x380;
	[sflag:s31] =	ssyncadd.s32 $0xFFFFFF80  }
0x4c: {  	[tilespmem:s0], [sflag:$0x2] =	stream.indirect.gather [hbm4b:s1+s23], $0x80, s23, s23, $0xb8;
	[tilespmem:$0x1C080] =	vst v63  }
.LBB2_2:
0x4d: {  	_ =	swait.ge [sflag:s5], $0x4000;
	p0 =	seq.s32 s14, $0x2D80  }
0x4e: {  	[sflag:s5] =	ssyncset.done $0x0;
	s15 =	sadd.s32 @!p0 $0xFFFFFE80, s14  }
0x4f: {  	[sflag:s5] =	ssyncadd.s32 $0xFFFFC000;
	s16 =	sand.u32 @!p0 $0x7C00, s15  }
0x50: {  	[spmem:s4] =	stream.indirect.scatter.add.f32 [tilespmem:s30], [sflag:$0x7], $0x80, s22, s23, $0xb8;
	[tilespmem:$0x1C080] =	vst v63  }
0x51: {  	s15 =	sand.u32 @!p0 $0x200, s15;
	s16 =	sadd.s32 @!p0 s7, s16  }
0x52: {  	_ =	swait.ge [sflag:s21], $0x4000;
	s15 =	sor.u32 @!p0 s15, s16  }
0x53: {  	[sflag:s21] =	ssyncset.done $0x0;
	s15 =	sshrl.u32 @!p0 s15, $0x3  }
0x54: {  	s17 =	simm.s32 @!p0 $0x0;
	[sflag:s21] =	ssyncadd.s32 $0xFFFFC000;
	s16 =	sadd.s32 @!p0 s2, s15  }
0x55: {  	[tilespmem:s17], [sflag:$0x3] =	stream.linear.gather @!p0 [hbm4b:s16+s17], $0x80, $0x38;
	[tilespmem:$0x1C080] =	vst v63  }
0x56: {  	s15 =	sadd.s32 @!p0 s3, s15;
	s16 =	simm.s32 @!p0 $0x200  }
0x57: {  	[tilespmem:s16], [sflag:$0x3] =	stream.linear.gather @!p0 [hbm4b:s15+s17], $0x80, $0x38;
	[tilespmem:$0x1C080] =	vst v63  }
0x58: {  	_ =	swait.ge [sflag:s8], $0x80  }
0x59: {  	[sflag:s8] =	ssyncset.done $0x0  }
0x5a: {  	[sflag:s8] =	ssyncadd.s32 $0xFFFFFF80  }
0x5b: {  	_ =	swait.ge [sflag:s8], $0x80  }
0x5c: {  	[sflag:s8] =	ssyncset.done $0x0  }
0x5d: {  	[sflag:s8] =	ssyncadd.s32 $0xFFFFFF80  }
0x5e: {  	[tilespmem:s30], [sflag:$0x1] =	stream.indirect.gather [hbm4b:s1+s23], $0x80, s25, s23, $0xb8;
	[tilespmem:$0x1C080] =	vst v63  }
0x5f: {  	s15 =	sadd.s32 @!p0 $0xFFFFFF00, s14;
	_ =	swait.ge [sflag:s10], $0x4000  }
0x60: {  	s16 =	sand.u32 @!p0 $0x7C00, s15;
	[sflag:s10] =	ssyncset.done $0x0  }
0x61: {  	s15 =	sand.u32 @!p0 $0x280, s15;
	s16 =	sadd.s32 @!p0 s7, s16;
	[sflag:s10] =	ssyncadd.s32 $0xFFFFC000  }
0x62: {  	[spmem:s4] =	stream.indirect.scatter.add.f32 [tilespmem:s0], [sflag:$0x7], $0x80, s24, s23, $0xb8;
	[tilespmem:$0x1C080] =	vst v63  }
0x63: {  	s15 =	sor.u32 @!p0 s15, s16;
	_ =	swait.ge [sflag:s21], $0x4000  }
0x64: {  	s15 =	sshrl.u32 @!p0 s15, $0x3;
	[sflag:s21] =	ssyncset.done $0x0  }
0x65: {  	s18 =	simm.s32 @!p0 $0x80;
	s16 =	sadd.s32 @!p0 s2, s15;
	[sflag:s21] =	ssyncadd.s32 $0xFFFFC000  }
0x66: {  	[tilespmem:s18], [sflag:$0x4] =	stream.linear.gather @!p0 [hbm4b:s16+s17], $0x80, $0x38;
	[tilespmem:$0x1C080] =	vst v63  }
0x67: {  	s15 =	sadd.s32 @!p0 s3, s15;
	s16 =	simm.s32 @!p0 $0x280  }
0x68: {  	[tilespmem:s16], [sflag:$0x4] =	stream.linear.gather @!p0 [hbm4b:s15+s17], $0x80, $0x38;
	[tilespmem:$0x1C080] =	vst v63  }
0x69: {  	_ =	swait.ge [sflag:s11], $0x80  }
0x6a: {  	[sflag:s11] =	ssyncset.done $0x0  }
0x6b: {  	[sflag:s11] =	ssyncadd.s32 $0xFFFFFF80  }
0x6c: {  	_ =	swait.ge [sflag:s11], $0x80  }
0x6d: {  	[sflag:s11] =	ssyncset.done $0x0  }
0x6e: {  	[sflag:s11] =	ssyncadd.s32 $0xFFFFFF80  }
0x6f: {  	[tilespmem:s0], [sflag:$0x2] =	stream.indirect.gather [hbm4b:s1+s23], $0x80, s28, s23, $0xb8;
	[tilespmem:$0x1C080] =	vst v63  }
0x70: {  	_ =	swait.ge [sflag:s5], $0x4000  }
0x71: {  	[sflag:s5] =	ssyncset.done $0x0  }
.Ltmp2:
0x72: {  	[sflag:s5] =	ssyncadd.s32 $0xFFFFC000;
	(pc) =	sbr.rel @p0 .LBB2_4-.Ltmp2, $4  }
0x73: {  	[spmem:s4] =	stream.indirect.scatter.add.f32 [tilespmem:s30], [sflag:$0x7], $0x80, s26, s23, $0xb8;
	[tilespmem:$0x1C080] =	vst v63  }
0x74: {  	_ =	swait.ge [sflag:s21], $0x4000  }
0x75: {  	[sflag:s21] =	ssyncset.done $0x0  }
0x76: {  	[sflag:s21] =	ssyncadd.s32 $0xFFFFC000  }
0x77: {  	s15 =	sadd.s32 $0xFFFFFF80, s14  }
0x78: {  	s16 =	sand.u32 $0x7C00, s15  }
0x79: {  	s15 =	sand.u32 $0x300, s15;
	s16 =	sadd.s32 s7, s16  }
0x7a: {  	s15 =	sor.u32 s15, s16  }
0x7b: {  	s15 =	sshrl.u32 s15, $0x3  }
0x7c: {  	s18 =	sadd.s32 s2, s15  }
0x7d: {  	[tilespmem:s25], [sflag:$0x5] =	stream.linear.gather [hbm4b:s18+s6], $0x80, $0x38;
	[tilespmem:$0x1C080] =	vst v63  }
0x7e: {  	s15 =	sadd.s32 s3, s15  }
0x7f: {  	[tilespmem:s26], [sflag:$0x5] =	stream.linear.gather [hbm4b:s15+s6], $0x80, $0x38;
	[tilespmem:$0x1C080] =	vst v63  }
0x80: {  	_ =	swait.ge [sflag:s29], $0x80  }
0x81: {  	[sflag:s29] =	ssyncset.done $0x0  }
0x82: {  	[sflag:s29] =	ssyncadd.s32 $0xFFFFFF80  }
0x83: {  	_ =	swait.ge [sflag:s29], $0x80  }
0x84: {  	[sflag:s29] =	ssyncset.done $0x0  }
0x85: {  	[sflag:s29] =	ssyncadd.s32 $0xFFFFFF80  }
0x86: {  	[tilespmem:s30], [sflag:$0x1] =	stream.indirect.gather [hbm4b:s1+s23], $0x80, s6, s23, $0xb8;
	[tilespmem:$0x1C080] =	vst v63  }
0x87: {  	_ =	swait.ge [sflag:s10], $0x4000  }
0x88: {  	s16 =	sand.u32 $0x7C00, s14;
	[sflag:s10] =	ssyncset.done $0x0  }
0x89: {  	s17 =	sand.u32 $0x380, s14;
	s15 =	sadd.s32 s7, s16;
	[sflag:s10] =	ssyncadd.s32 $0xFFFFC000  }
0x8a: {  	[spmem:s4] =	stream.indirect.scatter.add.f32 [tilespmem:s0], [sflag:$0x7], $0x80, s12, s23, $0xb8;
	[tilespmem:$0x1C080] =	vst v63  }
0x8b: {  	s15 =	sor.u32 s17, s15;
	_ =	swait.ge [sflag:s21], $0x4000  }
0x8c: {  	s15 =	sshrl.u32 s15, $0x3;
	[sflag:s21] =	ssyncset.done $0x0  }
0x8d: {  	s18 =	sadd.s32 s2, s15;
	[sflag:s21] =	ssyncadd.s32 $0xFFFFC000  }
0x8e: {  	[tilespmem:s28], [sflag:$0x6] =	stream.linear.gather [hbm4b:s18+s6], $0x80, $0x38;
	[tilespmem:$0x1C080] =	vst v63  }
0x8f: {  	s15 =	sadd.s32 s3, s15  }
0x90: {  	[tilespmem:s12], [sflag:$0x6] =	stream.linear.gather [hbm4b:s15+s6], $0x80, $0x38;
	[tilespmem:$0x1C080] =	vst v63  }
0x91: {  	_ =	swait.ge [sflag:s31], $0x80  }
0x92: {  	[sflag:s31] =	ssyncset.done $0x0  }
.Ltmp3:
0x93: {  	[sflag:s31] =	ssyncadd.s32 $0xFFFFFF80;
	(pc) =	sbr.rel .LBB2_2-.Ltmp3, $4  }
0x94: {  	_ =	swait.ge [sflag:s31], $0x80  }
0x95: {  	[sflag:s31] =	ssyncset.done $0x0  }
0x96: {  	s14 =	sadd.s32 $0x200, s14;
	[sflag:s31] =	ssyncadd.s32 $0xFFFFFF80  }
0x97: {  	[tilespmem:s0], [sflag:$0x2] =	stream.indirect.gather [hbm4b:s1+s23], $0x80, s23, s23, $0xb8;
	[tilespmem:$0x1C080] =	vst v63  }
.LBB2_5:
0x98: {  	_ =	sfence.sel $0x180000  }
0x99: {  	[bflag:$0x0] =	sbarrier.arrive $0xFFFF  }
0x9a: {  	_ =	strace $0x90000047  }
0x9b: {  	s0 =	stileid.u32;
	[bflag:$0x2] =	sbarrier.arrive $0xFFFF  }
0x9c: {  	p0 =	sne.s32 s0, $0x0;
	s0 =	rddreg [dreg:$0x6]  }
0x9d: {  	s0 =	sadd.s32 @!p0 $0x100000, s0  }
0x9e: {  	[sflag:s0] =	ssyncadd.tile.s32 @!p0 $0x1;
	_ =	shalt  }
.Lfunc_end2:
_tile_overlayer_lowered:
.L_overlay_start_2:
0x9f: {  	(tag) =	ssettag $0x2  }
0xa0: {  	s0 =	rddreg [dreg:$0x0];
	s2 =	stileid.u32  }
0xa1: {  	s1 =	rddreg [dreg:$0x1];
	p0 =	sne.s32 s2, $0x0  }
0xa2: {  	s3 =	rddreg [dreg:$0x2];
	[bflag:$0x3] =	sbarrier.arrive $0xFFFF;
	s2 =	simm.s32 @!p0 $0x1C07  }
0xa3: {  	[timem:s3], [sflag:s2] =	dma.local @!p0 [hbm:s0], s1  }
0xa4: {  	s0 =	simm.s32 @!p0 $0x7  }
0xa5: {  	_ =	swait.ge @!p0 [sflag:s0], s1  }
0xa6: {  	s1 =	ssub.s32 @!p0 $0x0, s1;
	[sflag:s0] =	ssyncset.done @!p0 $0x0  }
0xa7: {  	[sflag:s0] =	ssyncadd.s32 @!p0 s1  }
0xa8: {  	[bflag:$0x3] =	sbarrier.arrive $0xFFFF  }
0xa9: {  	_ =	shalt  }

</sc_bundles>
